<compile_context>
chip_gen: v7x
topology: tpu7x:2x2x1
jax: 0.10.2.dev20260603
libtpu: 0.0.44.dev20260713+nightly
codegen_flags: <defaults>
</compile_context>

<pallas_src>
import functools

import jax
import jax.numpy as jnp
from jax import lax
from jax.experimental import pallas as pl
from jax.experimental.pallas import tpu as pltpu
from jax.experimental.pallas import tpu_sc as plsc

NUM_CODES = 8192
CODE_DIM = 32
BETA = 0.25
BLK_M = 2048
N_CHUNKS = 4
CHUNK = NUM_CODES // N_CHUNKS
SEG = 128
NSEG = CHUNK // SEG


def _rnd_bf16(x):
    return x.astype(jnp.bfloat16).astype(jnp.float32)


def _vq_block_kernel(z16_ref, zsq_ref, cb16_ref, esq_ref,
                     idx_ref, loss_ref):
    s = jax.lax.dot_general(z16_ref[...], cb16_ref[...],
                            (((1,), (1,)), ((), ())),
                            preferred_element_type=jnp.float32)
    zsq = zsq_ref[...]
    esq = esq_ref[...]

    acc_v = acc_m = acc_i = None
    iota_seg = jax.lax.broadcasted_iota(jnp.int32, (BLK_M, SEG), 1)
    for c in range(N_CHUNKS):
        base = c * CHUNK

        def _dseg(k):
            sl = slice(base + k * SEG, base + (k + 1) * SEG)
            return (zsq + esq[:, sl]) - 2.0 * s[:, sl]

        v = _dseg(0)
        seg_no = jnp.zeros((BLK_M, SEG), jnp.int32)
        for k in range(1, NSEG):
            vs = _dseg(k)
            lt = vs < v
            v = jnp.where(lt, vs, v)
            seg_no = jnp.where(lt, k, seg_no)
        ixg = seg_no * SEG + iota_seg
        mc = jnp.min(v, axis=1, keepdims=True)
        ic = jnp.min(jnp.where(v == mc, ixg, NUM_CODES),
                     axis=1, keepdims=True) + base
        if c == 0:
            acc_v, acc_m, acc_i = _rnd_bf16(mc), mc, ic
        else:
            lt = mc < acc_v
            acc_v = jnp.where(lt, _rnd_bf16(mc), acc_v)
            acc_m = jnp.where(lt, mc, acc_m)
            acc_i = jnp.where(lt, ic, acc_i)

    idx_ref[...] = acc_i
    loss_ref[...] = jnp.sum(acc_m).reshape(1, 1, 1)


_SC_INFO = plsc.get_sparse_core_info()
_SC_NW = _SC_INFO.num_cores * _SC_INFO.num_subcores
_B_PER_W = NUM_CODES // _SC_NW
_D_PAD = 128


@functools.partial(
    pl.kernel,
    mesh=plsc.VectorSubcoreMesh(core_axis_name="c", subcore_axis_name="s"),
    out_type=jax.ShapeDtypeStruct((NUM_CODES, _D_PAD), jnp.float32),
    scratch_types=[
        pltpu.VMEM((_B_PER_W,), jnp.int32),
        pltpu.VMEM((_B_PER_W, _D_PAD), jnp.float32),
        pltpu.SemaphoreType.DMA,
    ],
)
def _sc_gather(table_hbm, idx_hbm, out_hbm, idx_v, rows_v, sem):
    wid = lax.axis_index("s") * _SC_INFO.num_cores + lax.axis_index("c")
    base = wid * _B_PER_W
    pltpu.sync_copy(idx_hbm.at[pl.ds(base, _B_PER_W)], idx_v)
    pltpu.async_copy(table_hbm.at[idx_v], rows_v, sem).wait()
    pltpu.sync_copy(rows_v, out_hbm.at[pl.ds(base, _B_PER_W)])


def kernel(z_e, codebook):
    B, N, C = z_e.shape
    z_flat = z_e.reshape(-1, C)
    R = z_flat.shape[0]
    n_blocks = R // BLK_M
    z_sq = jnp.sum(z_e ** 2, axis=2).reshape(R, 1)
    e_sq = jnp.sum(codebook ** 2, axis=1)[None, :]
    z16 = z_flat.astype(jnp.bfloat16)
    cb16 = codebook.astype(jnp.bfloat16)

    idx, loss = pl.pallas_call(
        _vq_block_kernel,
        grid=(n_blocks,),
        in_specs=[
            pl.BlockSpec((BLK_M, C), lambda i: (i, 0)),
            pl.BlockSpec((BLK_M, 1), lambda i: (i, 0)),
            pl.BlockSpec((NUM_CODES, C), lambda i: (0, 0)),
            pl.BlockSpec((1, NUM_CODES), lambda i: (0, 0)),
        ],
        out_specs=[
            pl.BlockSpec((BLK_M, 1), lambda i: (i, 0)),
            pl.BlockSpec((1, 1, 1), lambda i: (i, 0, 0)),
        ],
        out_shape=[
            jax.ShapeDtypeStruct((R, 1), jnp.int32),
            jax.ShapeDtypeStruct((n_blocks, 1, 1), jnp.float32),
        ],
        compiler_params=pltpu.CompilerParams(
            dimension_semantics=("arbitrary",)),
    )(z16, z_sq, cb16, e_sq)

    indices = idx.reshape(B, N)
    cb_pad = jnp.pad(codebook, ((0, 0), (0, _D_PAD - C)))
    z_q = _sc_gather(cb_pad, idx.reshape(R))[:, :C].reshape(B, N, C)
    mse = jnp.sum(loss) / (R * C)
    vq_loss = (1.0 + BETA) * mse / C
    return (z_q, indices, vq_loss)

# --- scband reference (transcript-rebuilt; emitter-appended) ---
"""Pipeline reference for scband-vqexpert-49864570306940 (READ-ONLY COPY).

The authoritative reference and input builder live on the scoring server;
editing this copy changes nothing except your own understanding.
"""

import jax, jax.numpy as jnp
import numpy as np
import math

NUM_CODES = 8192
CODE_DIM = 32
BETA = 0.25


def setup_inputs(seed: int = 0) -> dict:
    key = jax.random.key(seed)
    k1, k2 = jax.random.split(key)
    z_e = jax.random.normal(k1, (8, 1024, CODE_DIM), dtype=jnp.float32)
    bound = 1.0 / math.sqrt(CODE_DIM)
    codebook = jax.random.uniform(k2, (NUM_CODES, CODE_DIM), minval=-bound, maxval=bound, dtype=jnp.float32)
    return {"z_e": z_e, "codebook": codebook}


def reference(z_e, codebook):
    B, N, C = z_e.shape
    z_e_flat = z_e.reshape(-1, C)
    z_sq = jnp.sum(z_e_flat ** 2, axis=1, keepdims=True)
    e_sq = jnp.sum(codebook ** 2, axis=1)[None, :]
    dists = z_sq + e_sq - 2.0 * (z_e_flat @ codebook.T)
    indices = jnp.argmin(dists, axis=1)
    z_q_flat = jnp.take(codebook, indices, axis=0)
    z_q = z_q_flat.reshape(B, N, C)
    indices = indices.reshape(B, N)
    z_q_st = z_e + jax.lax.stop_gradient(z_q - z_e)
    codebook_loss = jnp.mean((jax.lax.stop_gradient(z_q) - z_e) ** 2)
    commit_loss = jnp.mean((z_q - jax.lax.stop_gradient(z_e)) ** 2)
    vq_loss = (codebook_loss + BETA * commit_loss) / C
    return (z_q_st, indices, vq_loss)

if __name__ == "__main__":
    import jax
    _d = setup_inputs()
    print(jax.jit(kernel)(*tuple(_d.values())))

</pallas_src>

<mosaic_0001>
#map = affine_map<(d0, d1) -> (0, 0)>
#map1 = affine_map<(d0, d1) -> (0)>
module attributes {stable_mosaic.version = 14 : i64} {
  func.func @_sc_gather(%arg0: i32, %arg1: i32, %arg2: memref<8192x128xf32, #tpu.memory_space<hbm>>, %arg3: memref<8192xi32, #tpu.memory_space<hbm>>, %arg4: memref<8192x128xf32, #tpu.memory_space<hbm>>, %arg5: memref<256xi32, #tpu.memory_space<vmem>>, %arg6: memref<256x128xf32, #tpu.memory_space<vmem>>, %arg7: memref<!tpu.dma_semaphore, #tpu.memory_space<semaphore_mem>>) attributes {dimension_semantics = [#tpu.dimension_semantics<core_parallel>, #tpu.dimension_semantics<subcore_parallel>], iteration_bounds = array<i64: 2, 16>, scalar_prefetch = 0 : i64, scratch_operands = 3 : i64, tpu.core_type = #tpu.core_type<sc_vector_subcore>, window_params = [{transform_indices = #map}, {transform_indices = #map1}, {transform_indices = #map}]} {
    %mul3A = arith.constant 2 : i32
    %mul3A_0 = arith.muli %arg1, %mul3A : i32
    %add3A = arith.addi %mul3A_0, %arg0 : i32
    %mul3A_1 = arith.constant 256 : i32
    %mul3A_2 = arith.muli %add3A, %mul3A_1 : i32
    "tpu.region"() ({
      %run_scoped3A = tpu.sem_alloc : memref<!tpu.dma_semaphore, #tpu.memory_space<semaphore_mem>>
      %dma_start3A_7 = tpu.memref_slice %arg3[%mul3A_2] : memref<8192xi32, #tpu.memory_space<hbm>> -> memref<256xi32, #tpu.memory_space<hbm>>
      %dma_start3A_8 = tpu.memref_slice %arg3[%mul3A_2] : memref<8192xi32, #tpu.memory_space<hbm>> -> memref<256xi32, #tpu.memory_space<hbm>>
      tpu.enqueue_dma source(%dma_start3A_8 : memref<256xi32, #tpu.memory_space<hbm>>) target(%arg5 : memref<256xi32, #tpu.memory_space<vmem>>) target_semaphore(%run_scoped3A : memref<!tpu.dma_semaphore, #tpu.memory_space<semaphore_mem>>)
      %dma_wait3A_9 = tpu.memref_slice %arg3[%mul3A_2] : memref<8192xi32, #tpu.memory_space<hbm>> -> memref<256xi32, #tpu.memory_space<hbm>>
      %dma_wait3A_10 = tpu.memref_slice %arg3[%mul3A_2] : memref<8192xi32, #tpu.memory_space<hbm>> -> memref<256xi32, #tpu.memory_space<hbm>>
      tpu.wait_dma2 semaphore(%run_scoped3A : memref<!tpu.dma_semaphore, #tpu.memory_space<semaphore_mem>>) src(%dma_wait3A_10 : memref<256xi32, #tpu.memory_space<hbm>>) dst(%arg5 : memref<256xi32, #tpu.memory_space<vmem>>)
      tpu.yield
    }) : () -> ()
    %dma_start3A = arith.constant 0 : i32
    %dma_start3A_3 = arith.constant 0 : i32
    %dma_start3A_4 = tpu.memref_slice %arg2[%dma_start3A, %dma_start3A_3] : memref<8192x128xf32, #tpu.memory_space<hbm>> -> memref<8192x128xf32, #tpu.memory_space<hbm>>
    tpu.enqueue_indirect_dma source(%dma_start3A_4 : memref<8192x128xf32, #tpu.memory_space<hbm>>) target(%arg6 : memref<256x128xf32, #tpu.memory_space<vmem>>) offsets(%arg5 : memref<256xi32, #tpu.memory_space<vmem>>) semaphore(%arg7 : memref<!tpu.dma_semaphore, #tpu.memory_space<semaphore_mem>>)
    %dma_wait3A = arith.constant 0 : i32
    %dma_wait3A_5 = arith.constant 0 : i32
    %dma_wait3A_6 = tpu.memref_slice %arg2[%dma_wait3A, %dma_wait3A_5] : memref<8192x128xf32, #tpu.memory_space<hbm>> -> memref<8192x128xf32, #tpu.memory_space<hbm>>
    tpu.wait_indirect_dma semaphore(%arg7 : memref<!tpu.dma_semaphore, #tpu.memory_space<semaphore_mem>>) src(%dma_wait3A_6 : memref<8192x128xf32, #tpu.memory_space<hbm>>) dst(%arg6 : memref<256x128xf32, #tpu.memory_space<vmem>>)
    "tpu.region"() ({
      %run_scoped3A = tpu.sem_alloc : memref<!tpu.dma_semaphore, #tpu.memory_space<semaphore_mem>>
      %dma_start3A_7 = arith.constant 0 : i32
      %dma_start3A_8 = tpu.memref_slice %arg4[%mul3A_2, %dma_start3A_7] : memref<8192x128xf32, #tpu.memory_space<hbm>> -> memref<256x128xf32, #tpu.memory_space<hbm>>
      %dma_start3A_9 = arith.constant 0 : i32
      %dma_start3A_10 = tpu.memref_slice %arg4[%mul3A_2, %dma_start3A_9] : memref<8192x128xf32, #tpu.memory_space<hbm>> -> memref<256x128xf32, #tpu.memory_space<hbm>>
      tpu.enqueue_dma source(%arg6 : memref<256x128xf32, #tpu.memory_space<vmem>>) target(%dma_start3A_10 : memref<256x128xf32, #tpu.memory_space<hbm>>) target_semaphore(%run_scoped3A : memref<!tpu.dma_semaphore, #tpu.memory_space<semaphore_mem>>)
      %dma_wait3A_11 = arith.constant 0 : i32
      %dma_wait3A_12 = tpu.memref_slice %arg4[%mul3A_2, %dma_wait3A_11] : memref<8192x128xf32, #tpu.memory_space<hbm>> -> memref<256x128xf32, #tpu.memory_space<hbm>>
      %dma_wait3A_13 = arith.constant 0 : i32
      %dma_wait3A_14 = tpu.memref_slice %arg4[%mul3A_2, %dma_wait3A_13] : memref<8192x128xf32, #tpu.memory_space<hbm>> -> memref<256x128xf32, #tpu.memory_space<hbm>>
      tpu.wait_dma2 semaphore(%run_scoped3A : memref<!tpu.dma_semaphore, #tpu.memory_space<semaphore_mem>>) src(%arg6 : memref<256x128xf32, #tpu.memory_space<vmem>>) dst(%dma_wait3A_14 : memref<256x128xf32, #tpu.memory_space<hbm>>)
      tpu.yield
    }) : () -> ()
    return
  }
}

module attributes {stable_mosaic.version = 14 : i64} {
  func.func @_vq_block_kernel(%arg0: i32, %arg1: memref<2048x32xbf16, #tpu.memory_space<vmem>>, %arg2: memref<2048x1xf32, #tpu.memory_space<vmem>>, %arg3: memref<8192x32xbf16, #tpu.memory_space<vmem>>, %arg4: memref<1x8192xf32, #tpu.memory_space<vmem>>, %arg5: memref<2048x1xi32, #tpu.memory_space<vmem>>, %arg6: memref<1x1x1xf32, #tpu.memory_space<vmem>>) attributes {dimension_semantics = [#tpu.dimension_semantics<arbitrary>], iteration_bounds = array<i64: 4>, scalar_prefetch = 0 : i64, scratch_operands = 0 : i64, tpu.core_type = #tpu.core_type<tc>, window_params = [{transform_indices = @transform_0, window_bounds = array<i64: 2048, 32>}, {transform_indices = @transform_1, window_bounds = array<i64: 2048, 1>}, {pipeline_mode = #tpu.pipeline_mode<synchronous>, transform_indices = @transform_2, window_bounds = array<i64: 8192, 32>}, {pipeline_mode = #tpu.pipeline_mode<synchronous>, transform_indices = @transform_3, window_bounds = array<i64: 1, 8192>}, {transform_indices = @transform_4, window_bounds = array<i64: 2048, 1>}, {transform_indices = @transform_5, window_bounds = array<i64: 1, 1, 1>}]} {
    %get3A = arith.constant 0 : index
    %get3A_0 = arith.constant 0 : index
    %get3A_1 = vector.load %arg1[%get3A, %get3A_0] : memref<2048x32xbf16, #tpu.memory_space<vmem>>, vector<2048x32xbf16>
    %get3A_2 = arith.constant 0 : index
    %get3A_3 = arith.constant 0 : index
    %get3A_4 = vector.load %arg3[%get3A_2, %get3A_3] : memref<8192x32xbf16, #tpu.memory_space<vmem>>, vector<8192x32xbf16>
    %dot_general3A = arith.constant dense<0.000000e+00> : vector<2048x8192xf32>
    %dot_general3A_5 = tpu.matmul %get3A_1, %get3A_4, %dot_general3A {dimension_numbers = #tpu.dot_dimension_numbers<[1], [1], [0], [0], [0, 0, 1, 0], [], []>, transpose_lhs_hint = false} : vector<2048x32xbf16>, vector<8192x32xbf16>, vector<2048x8192xf32> -> vector<2048x8192xf32>
    %get3A_6 = arith.constant 0 : index
    %get3A_7 = arith.constant 0 : index
    %get3A_8 = vector.load %arg2[%get3A_6, %get3A_7] : memref<2048x1xf32, #tpu.memory_space<vmem>>, vector<2048x1xf32>
    %get3A_9 = arith.constant 0 : index
    %get3A_10 = arith.constant 0 : index
    %get3A_11 = vector.load %arg4[%get3A_9, %get3A_10] : memref<1x8192xf32, #tpu.memory_space<vmem>>, vector<1x8192xf32>
    %iota3A = tpu.iota {dimensions = array<i32: 1>} : vector<2048x128xi32>
    %slice3A = vector.extract_strided_slice %get3A_11 {offsets = [0, 0], sizes = [1, 128], strides = [1, 1]} : vector<1x8192xf32> to vector<1x128xf32>
    %add3A = vector.broadcast %get3A_8 : vector<2048x1xf32> to vector<2048x128xf32>
    %add3A_12 = vector.broadcast %slice3A : vector<1x128xf32> to vector<2048x128xf32>
    %add3A_13 = arith.addf %add3A, %add3A_12 : vector<2048x128xf32>
    %slice3A_14 = vector.extract_strided_slice %dot_general3A_5 {offsets = [0, 0], sizes = [2048, 128], strides = [1, 1]} : vector<2048x8192xf32> to vector<2048x128xf32>
    %mul3A = arith.constant 2.000000e+00 : f32
    %mul3A_15 = vector.broadcast %mul3A : f32 to vector<2048x128xf32>
    %mul3A_16 = arith.mulf %mul3A_15, %slice3A_14 : vector<2048x128xf32>
    %sub3A = arith.subf %add3A_13, %mul3A_16 : vector<2048x128xf32>
    %broadcast_in_dim3A = arith.constant 0 : i32
    %broadcast_in_dim3A_17 = vector.broadcast %broadcast_in_dim3A : i32 to vector<2048x128xi32>
    %slice3A_18 = vector.extract_strided_slice %get3A_11 {offsets = [0, 128], sizes = [1, 128], strides = [1, 1]} : vector<1x8192xf32> to vector<1x128xf32>
    %add3A_19 = vector.broadcast %get3A_8 : vector<2048x1xf32> to vector<2048x128xf32>
    %add3A_20 = vector.broadcast %slice3A_18 : vector<1x128xf32> to vector<2048x128xf32>
    %add3A_21 = arith.addf %add3A_19, %add3A_20 : vector<2048x128xf32>
    %slice3A_22 = vector.extract_strided_slice %dot_general3A_5 {offsets = [0, 128], sizes = [2048, 128], strides = [1, 1]} : vector<2048x8192xf32> to vector<2048x128xf32>
    %mul3A_23 = arith.constant 2.000000e+00 : f32
    %mul3A_24 = vector.broadcast %mul3A_23 : f32 to vector<2048x128xf32>
    %mul3A_25 = arith.mulf %mul3A_24, %slice3A_22 : vector<2048x128xf32>
    %sub3A_26 = arith.subf %add3A_21, %mul3A_25 : vector<2048x128xf32>
    %lt3A = arith.cmpf olt, %sub3A_26, %sub3A : vector<2048x128xf32>
    %select_n3A = arith.select %lt3A, %sub3A_26, %sub3A : vector<2048x128xi1>, vector<2048x128xf32>
    %jit3A = arith.constant 1 : i32
    %broadcast_in_dim3A_27 = vector.broadcast %jit3A : i32 to vector<2048x128xi32>
    %select_n3A_28 = arith.select %lt3A, %broadcast_in_dim3A_27, %broadcast_in_dim3A_17 : vector<2048x128xi1>, vector<2048x128xi32>
    %slice3A_29 = vector.extract_strided_slice %get3A_11 {offsets = [0, 256], sizes = [1, 128], strides = [1, 1]} : vector<1x8192xf32> to vector<1x128xf32>
    %add3A_30 = vector.broadcast %get3A_8 : vector<2048x1xf32> to vector<2048x128xf32>
    %add3A_31 = vector.broadcast %slice3A_29 : vector<1x128xf32> to vector<2048x128xf32>
    %add3A_32 = arith.addf %add3A_30, %add3A_31 : vector<2048x128xf32>
    %slice3A_33 = vector.extract_strided_slice %dot_general3A_5 {offsets = [0, 256], sizes = [2048, 128], strides = [1, 1]} : vector<2048x8192xf32> to vector<2048x128xf32>
    %mul3A_34 = arith.constant 2.000000e+00 : f32
    %mul3A_35 = vector.broadcast %mul3A_34 : f32 to vector<2048x128xf32>
    %mul3A_36 = arith.mulf %mul3A_35, %slice3A_33 : vector<2048x128xf32>
    %sub3A_37 = arith.subf %add3A_32, %mul3A_36 : vector<2048x128xf32>
    %lt3A_38 = arith.cmpf olt, %sub3A_37, %select_n3A : vector<2048x128xf32>
    %select_n3A_39 = arith.select %lt3A_38, %sub3A_37, %select_n3A : vector<2048x128xi1>, vector<2048x128xf32>
    %jit3A_40 = arith.constant 2 : i32
    %broadcast_in_dim3A_41 = vector.broadcast %jit3A_40 : i32 to vector<2048x128xi32>
    %select_n3A_42 = arith.select %lt3A_38, %broadcast_in_dim3A_41, %select_n3A_28 : vector<2048x128xi1>, vector<2048x128xi32>
    %slice3A_43 = vector.extract_strided_slice %get3A_11 {offsets = [0, 384], sizes = [1, 128], strides = [1, 1]} : vector<1x8192xf32> to vector<1x128xf32>
    %add3A_44 = vector.broadcast %get3A_8 : vector<2048x1xf32> to vector<2048x128xf32>
    %add3A_45 = vector.broadcast %slice3A_43 : vector<1x128xf32> to vector<2048x128xf32>
    %add3A_46 = arith.addf %add3A_44, %add3A_45 : vector<2048x128xf32>
    %slice3A_47 = vector.extract_strided_slice %dot_general3A_5 {offsets = [0, 384], sizes = [2048, 128], strides = [1, 1]} : vector<2048x8192xf32> to vector<2048x128xf32>
    %mul3A_48 = arith.constant 2.000000e+00 : f32
    %mul3A_49 = vector.broadcast %mul3A_48 : f32 to vector<2048x128xf32>
    %mul3A_50 = arith.mulf %mul3A_49, %slice3A_47 : vector<2048x128xf32>
    %sub3A_51 = arith.subf %add3A_46, %mul3A_50 : vector<2048x128xf32>
    %lt3A_52 = arith.cmpf olt, %sub3A_51, %select_n3A_39 : vector<2048x128xf32>
    %select_n3A_53 = arith.select %lt3A_52, %sub3A_51, %select_n3A_39 : vector<2048x128xi1>, vector<2048x128xf32>
    %jit3A_54 = arith.constant 3 : i32
    %broadcast_in_dim3A_55 = vector.broadcast %jit3A_54 : i32 to vector<2048x128xi32>
    %select_n3A_56 = arith.select %lt3A_52, %broadcast_in_dim3A_55, %select_n3A_42 : vector<2048x128xi1>, vector<2048x128xi32>
    %slice3A_57 = vector.extract_strided_slice %get3A_11 {offsets = [0, 512], sizes = [1, 128], strides = [1, 1]} : vector<1x8192xf32> to vector<1x128xf32>
    %add3A_58 = vector.broadcast %get3A_8 : vector<2048x1xf32> to vector<2048x128xf32>
    %add3A_59 = vector.broadcast %slice3A_57 : vector<1x128xf32> to vector<2048x128xf32>
    %add3A_60 = arith.addf %add3A_58, %add3A_59 : vector<2048x128xf32>
    %slice3A_61 = vector.extract_strided_slice %dot_general3A_5 {offsets = [0, 512], sizes = [2048, 128], strides = [1, 1]} : vector<2048x8192xf32> to vector<2048x128xf32>
    %mul3A_62 = arith.constant 2.000000e+00 : f32
    %mul3A_63 = vector.broadcast %mul3A_62 : f32 to vector<2048x128xf32>
    %mul3A_64 = arith.mulf %mul3A_63, %slice3A_61 : vector<2048x128xf32>
    %sub3A_65 = arith.subf %add3A_60, %mul3A_64 : vector<2048x128xf32>
    %lt3A_66 = arith.cmpf olt, %sub3A_65, %select_n3A_53 : vector<2048x128xf32>
    %select_n3A_67 = arith.select %lt3A_66, %sub3A_65, %select_n3A_53 : vector<2048x128xi1>, vector<2048x128xf32>
    %jit3A_68 = arith.constant 4 : i32
    %broadcast_in_dim3A_69 = vector.broadcast %jit3A_68 : i32 to vector<2048x128xi32>
    %select_n3A_70 = arith.select %lt3A_66, %broadcast_in_dim3A_69, %select_n3A_56 : vector<2048x128xi1>, vector<2048x128xi32>
    %slice3A_71 = vector.extract_strided_slice %get3A_11 {offsets = [0, 640], sizes = [1, 128], strides = [1, 1]} : vector<1x8192xf32> to vector<1x128xf32>
    %add3A_72 = vector.broadcast %get3A_8 : vector<2048x1xf32> to vector<2048x128xf32>
    %add3A_73 = vector.broadcast %slice3A_71 : vector<1x128xf32> to vector<2048x128xf32>
    %add3A_74 = arith.addf %add3A_72, %add3A_73 : vector<2048x128xf32>
    %slice3A_75 = vector.extract_strided_slice %dot_general3A_5 {offsets = [0, 640], sizes = [2048, 128], strides = [1, 1]} : vector<2048x8192xf32> to vector<2048x128xf32>
    %mul3A_76 = arith.constant 2.000000e+00 : f32
    %mul3A_77 = vector.broadcast %mul3A_76 : f32 to vector<2048x128xf32>
    %mul3A_78 = arith.mulf %mul3A_77, %slice3A_75 : vector<2048x128xf32>
    %sub3A_79 = arith.subf %add3A_74, %mul3A_78 : vector<2048x128xf32>
    %lt3A_80 = arith.cmpf olt, %sub3A_79, %select_n3A_67 : vector<2048x128xf32>
    %select_n3A_81 = arith.select %lt3A_80, %sub3A_79, %select_n3A_67 : vector<2048x128xi1>, vector<2048x128xf32>
    %jit3A_82 = arith.constant 5 : i32
    %broadcast_in_dim3A_83 = vector.broadcast %jit3A_82 : i32 to vector<2048x128xi32>
    %select_n3A_84 = arith.select %lt3A_80, %broadcast_in_dim3A_83, %select_n3A_70 : vector<2048x128xi1>, vector<2048x128xi32>
    %slice3A_85 = vector.extract_strided_slice %get3A_11 {offsets = [0, 768], sizes = [1, 128], strides = [1, 1]} : vector<1x8192xf32> to vector<1x128xf32>
    %add3A_86 = vector.broadcast %get3A_8 : vector<2048x1xf32> to vector<2048x128xf32>
    %add3A_87 = vector.broadcast %slice3A_85 : vector<1x128xf32> to vector<2048x128xf32>
    %add3A_88 = arith.addf %add3A_86, %add3A_87 : vector<2048x128xf32>
    %slice3A_89 = vector.extract_strided_slice %dot_general3A_5 {offsets = [0, 768], sizes = [2048, 128], strides = [1, 1]} : vector<2048x8192xf32> to vector<2048x128xf32>
    %mul3A_90 = arith.constant 2.000000e+00 : f32
    %mul3A_91 = vector.broadcast %mul3A_90 : f32 to vector<2048x128xf32>
    %mul3A_92 = arith.mulf %mul3A_91, %slice3A_89 : vector<2048x128xf32>
    %sub3A_93 = arith.subf %add3A_88, %mul3A_92 : vector<2048x128xf32>
    %lt3A_94 = arith.cmpf olt, %sub3A_93, %select_n3A_81 : vector<2048x128xf32>
    %select_n3A_95 = arith.select %lt3A_94, %sub3A_93, %select_n3A_81 : vector<2048x128xi1>, vector<2048x128xf32>
    %jit3A_96 = arith.constant 6 : i32
    %broadcast_in_dim3A_97 = vector.broadcast %jit3A_96 : i32 to vector<2048x128xi32>
    %select_n3A_98 = arith.select %lt3A_94, %broadcast_in_dim3A_97, %select_n3A_84 : vector<2048x128xi1>, vector<2048x128xi32>
    %slice3A_99 = vector.extract_strided_slice %get3A_11 {offsets = [0, 896], sizes = [1, 128], strides = [1, 1]} : vector<1x8192xf32> to vector<1x128xf32>
    %add3A_100 = vector.broadcast %get3A_8 : vector<2048x1xf32> to vector<2048x128xf32>
    %add3A_101 = vector.broadcast %slice3A_99 : vector<1x128xf32> to vector<2048x128xf32>
    %add3A_102 = arith.addf %add3A_100, %add3A_101 : vector<2048x128xf32>
    %slice3A_103 = vector.extract_strided_slice %dot_general3A_5 {offsets = [0, 896], sizes = [2048, 128], strides = [1, 1]} : vector<2048x8192xf32> to vector<2048x128xf32>
    %mul3A_104 = arith.constant 2.000000e+00 : f32
    %mul3A_105 = vector.broadcast %mul3A_104 : f32 to vector<2048x128xf32>
    %mul3A_106 = arith.mulf %mul3A_105, %slice3A_103 : vector<2048x128xf32>
    %sub3A_107 = arith.subf %add3A_102, %mul3A_106 : vector<2048x128xf32>
    %lt3A_108 = arith.cmpf olt, %sub3A_107, %select_n3A_95 : vector<2048x128xf32>
    %select_n3A_109 = arith.select %lt3A_108, %sub3A_107, %select_n3A_95 : vector<2048x128xi1>, vector<2048x128xf32>
    %jit3A_110 = arith.constant 7 : i32
    %broadcast_in_dim3A_111 = vector.broadcast %jit3A_110 : i32 to vector<2048x128xi32>
    %select_n3A_112 = arith.select %lt3A_108, %broadcast_in_dim3A_111, %select_n3A_98 : vector<2048x128xi1>, vector<2048x128xi32>
    %slice3A_113 = vector.extract_strided_slice %get3A_11 {offsets = [0, 1024], sizes = [1, 128], strides = [1, 1]} : vector<1x8192xf32> to vector<1x128xf32>
    %add3A_114 = vector.broadcast %get3A_8 : vector<2048x1xf32> to vector<2048x128xf32>
    %add3A_115 = vector.broadcast %slice3A_113 : vector<1x128xf32> to vector<2048x128xf32>
    %add3A_116 = arith.addf %add3A_114, %add3A_115 : vector<2048x128xf32>
    %slice3A_117 = vector.extract_strided_slice %dot_general3A_5 {offsets = [0, 1024], sizes = [2048, 128], strides = [1, 1]} : vector<2048x8192xf32> to vector<2048x128xf32>
    %mul3A_118 = arith.constant 2.000000e+00 : f32
    %mul3A_119 = vector.broadcast %mul3A_118 : f32 to vector<2048x128xf32>
    %mul3A_120 = arith.mulf %mul3A_119, %slice3A_117 : vector<2048x128xf32>
    %sub3A_121 = arith.subf %add3A_116, %mul3A_120 : vector<2048x128xf32>
    %lt3A_122 = arith.cmpf olt, %sub3A_121, %select_n3A_109 : vector<2048x128xf32>
    %select_n3A_123 = arith.select %lt3A_122, %sub3A_121, %select_n3A_109 : vector<2048x128xi1>, vector<2048x128xf32>
    %jit3A_124 = arith.constant 8 : i32
    %broadcast_in_dim3A_125 = vector.broadcast %jit3A_124 : i32 to vector<2048x128xi32>
    %select_n3A_126 = arith.select %lt3A_122, %broadcast_in_dim3A_125, %select_n3A_112 : vector<2048x128xi1>, vector<2048x128xi32>
    %slice3A_127 = vector.extract_strided_slice %get3A_11 {offsets = [0, 1152], sizes = [1, 128], strides = [1, 1]} : vector<1x8192xf32> to vector<1x128xf32>
    %add3A_128 = vector.broadcast %get3A_8 : vector<2048x1xf32> to vector<2048x128xf32>
    %add3A_129 = vector.broadcast %slice3A_127 : vector<1x128xf32> to vector<2048x128xf32>
    %add3A_130 = arith.addf %add3A_128, %add3A_129 : vector<2048x128xf32>
    %slice3A_131 = vector.extract_strided_slice %dot_general3A_5 {offsets = [0, 1152], sizes = [2048, 128], strides = [1, 1]} : vector<2048x8192xf32> to vector<2048x128xf32>
    %mul3A_132 = arith.constant 2.000000e+00 : f32
    %mul3A_133 = vector.broadcast %mul3A_132 : f32 to vector<2048x128xf32>
    %mul3A_134 = arith.mulf %mul3A_133, %slice3A_131 : vector<2048x128xf32>
    %sub3A_135 = arith.subf %add3A_130, %mul3A_134 : vector<2048x128xf32>
    %lt3A_136 = arith.cmpf olt, %sub3A_135, %select_n3A_123 : vector<2048x128xf32>
    %select_n3A_137 = arith.select %lt3A_136, %sub3A_135, %select_n3A_123 : vector<2048x128xi1>, vector<2048x128xf32>
    %jit3A_138 = arith.constant 9 : i32
    %broadcast_in_dim3A_139 = vector.broadcast %jit3A_138 : i32 to vector<2048x128xi32>
    %select_n3A_140 = arith.select %lt3A_136, %broadcast_in_dim3A_139, %select_n3A_126 : vector<2048x128xi1>, vector<2048x128xi32>
    %slice3A_141 = vector.extract_strided_slice %get3A_11 {offsets = [0, 1280], sizes = [1, 128], strides = [1, 1]} : vector<1x8192xf32> to vector<1x128xf32>
    %add3A_142 = vector.broadcast %get3A_8 : vector<2048x1xf32> to vector<2048x128xf32>
    %add3A_143 = vector.broadcast %slice3A_141 : vector<1x128xf32> to vector<2048x128xf32>
    %add3A_144 = arith.addf %add3A_142, %add3A_143 : vector<2048x128xf32>
    %slice3A_145 = vector.extract_strided_slice %dot_general3A_5 {offsets = [0, 1280], sizes = [2048, 128], strides = [1, 1]} : vector<2048x8192xf32> to vector<2048x128xf32>
    %mul3A_146 = arith.constant 2.000000e+00 : f32
    %mul3A_147 = vector.broadcast %mul3A_146 : f32 to vector<2048x128xf32>
    %mul3A_148 = arith.mulf %mul3A_147, %slice3A_145 : vector<2048x128xf32>
    %sub3A_149 = arith.subf %add3A_144, %mul3A_148 : vector<2048x128xf32>
    %lt3A_150 = arith.cmpf olt, %sub3A_149, %select_n3A_137 : vector<2048x128xf32>
    %select_n3A_151 = arith.select %lt3A_150, %sub3A_149, %select_n3A_137 : vector<2048x128xi1>, vector<2048x128xf32>
    %jit3A_152 = arith.constant 10 : i32
    %broadcast_in_dim3A_153 = vector.broadcast %jit3A_152 : i32 to vector<2048x128xi32>
    %select_n3A_154 = arith.select %lt3A_150, %broadcast_in_dim3A_153, %select_n3A_140 : vector<2048x128xi1>, vector<2048x128xi32>
    %slice3A_155 = vector.extract_strided_slice %get3A_11 {offsets = [0, 1408], sizes = [1, 128], strides = [1, 1]} : vector<1x8192xf32> to vector<1x128xf32>
    %add3A_156 = vector.broadcast %get3A_8 : vector<2048x1xf32> to vector<2048x128xf32>
    %add3A_157 = vector.broadcast %slice3A_155 : vector<1x128xf32> to vector<2048x128xf32>
    %add3A_158 = arith.addf %add3A_156, %add3A_157 : vector<2048x128xf32>
    %slice3A_159 = vector.extract_strided_slice %dot_general3A_5 {offsets = [0, 1408], sizes = [2048, 128], strides = [1, 1]} : vector<2048x8192xf32> to vector<2048x128xf32>
    %mul3A_160 = arith.constant 2.000000e+00 : f32
    %mul3A_161 = vector.broadcast %mul3A_160 : f32 to vector<2048x128xf32>
    %mul3A_162 = arith.mulf %mul3A_161, %slice3A_159 : vector<2048x128xf32>
    %sub3A_163 = arith.subf %add3A_158, %mul3A_162 : vector<2048x128xf32>
    %lt3A_164 = arith.cmpf olt, %sub3A_163, %select_n3A_151 : vector<2048x128xf32>
    %select_n3A_165 = arith.select %lt3A_164, %sub3A_163, %select_n3A_151 : vector<2048x128xi1>, vector<2048x128xf32>
    %jit3A_166 = arith.constant 11 : i32
    %broadcast_in_dim3A_167 = vector.broadcast %jit3A_166 : i32 to vector<2048x128xi32>
    %select_n3A_168 = arith.select %lt3A_164, %broadcast_in_dim3A_167, %select_n3A_154 : vector<2048x128xi1>, vector<2048x128xi32>
    %slice3A_169 = vector.extract_strided_slice %get3A_11 {offsets = [0, 1536], sizes = [1, 128], strides = [1, 1]} : vector<1x8192xf32> to vector<1x128xf32>
    %add3A_170 = vector.broadcast %get3A_8 : vector<2048x1xf32> to vector<2048x128xf32>
    %add3A_171 = vector.broadcast %slice3A_169 : vector<1x128xf32> to vector<2048x128xf32>
    %add3A_172 = arith.addf %add3A_170, %add3A_171 : vector<2048x128xf32>
    %slice3A_173 = vector.extract_strided_slice %dot_general3A_5 {offsets = [0, 1536], sizes = [2048, 128], strides = [1, 1]} : vector<2048x8192xf32> to vector<2048x128xf32>
    %mul3A_174 = arith.constant 2.000000e+00 : f32
    %mul3A_175 = vector.broadcast %mul3A_174 : f32 to vector<2048x128xf32>
    %mul3A_176 = arith.mulf %mul3A_175, %slice3A_173 : vector<2048x128xf32>
    %sub3A_177 = arith.subf %add3A_172, %mul3A_176 : vector<2048x128xf32>
    %lt3A_178 = arith.cmpf olt, %sub3A_177, %select_n3A_165 : vector<2048x128xf32>
    %select_n3A_179 = arith.select %lt3A_178, %sub3A_177, %select_n3A_165 : vector<2048x128xi1>, vector<2048x128xf32>
    %jit3A_180 = arith.constant 12 : i32
    %broadcast_in_dim3A_181 = vector.broadcast %jit3A_180 : i32 to vector<2048x128xi32>
    %select_n3A_182 = arith.select %lt3A_178, %broadcast_in_dim3A_181, %select_n3A_168 : vector<2048x128xi1>, vector<2048x128xi32>
    %slice3A_183 = vector.extract_strided_slice %get3A_11 {offsets = [0, 1664], sizes = [1, 128], strides = [1, 1]} : vector<1x8192xf32> to vector<1x128xf32>
    %add3A_184 = vector.broadcast %get3A_8 : vector<2048x1xf32> to vector<2048x128xf32>
    %add3A_185 = vector.broadcast %slice3A_183 : vector<1x128xf32> to vector<2048x128xf32>
    %add3A_186 = arith.addf %add3A_184, %add3A_185 : vector<2048x128xf32>
    %slice3A_187 = vector.extract_strided_slice %dot_general3A_5 {offsets = [0, 1664], sizes = [2048, 128], strides = [1, 1]} : vector<2048x8192xf32> to vector<2048x128xf32>
    %mul3A_188 = arith.constant 2.000000e+00 : f32
    %mul3A_189 = vector.broadcast %mul3A_188 : f32 to vector<2048x128xf32>
    %mul3A_190 = arith.mulf %mul3A_189, %slice3A_187 : vector<2048x128xf32>
    %sub3A_191 = arith.subf %add3A_186, %mul3A_190 : vector<2048x128xf32>
    %lt3A_192 = arith.cmpf olt, %sub3A_191, %select_n3A_179 : vector<2048x128xf32>
    %select_n3A_193 = arith.select %lt3A_192, %sub3A_191, %select_n3A_179 : vector<2048x128xi1>, vector<2048x128xf32>
    %jit3A_194 = arith.constant 13 : i32
    %broadcast_in_dim3A_195 = vector.broadcast %jit3A_194 : i32 to vector<2048x128xi32>
    %select_n3A_196 = arith.select %lt3A_192, %broadcast_in_dim3A_195, %select_n3A_182 : vector<2048x128xi1>, vector<2048x128xi32>
    %slice3A_197 = vector.extract_strided_slice %get3A_11 {offsets = [0, 1792], sizes = [1, 128], strides = [1, 1]} : vector<1x8192xf32> to vector<1x128xf32>
    %add3A_198 = vector.broadcast %get3A_8 : vector<2048x1xf32> to vector<2048x128xf32>
    %add3A_199 = vector.broadcast %slice3A_197 : vector<1x128xf32> to vector<2048x128xf32>
    %add3A_200 = arith.addf %add3A_198, %add3A_199 : vector<2048x128xf32>
    %slice3A_201 = vector.extract_strided_slice %dot_general3A_5 {offsets = [0, 1792], sizes = [2048, 128], strides = [1, 1]} : vector<2048x8192xf32> to vector<2048x128xf32>
    %mul3A_202 = arith.constant 2.000000e+00 : f32
    %mul3A_203 = vector.broadcast %mul3A_202 : f32 to vector<2048x128xf32>
    %mul3A_204 = arith.mulf %mul3A_203, %slice3A_201 : vector<2048x128xf32>
    %sub3A_205 = arith.subf %add3A_200, %mul3A_204 : vector<2048x128xf32>
    %lt3A_206 = arith.cmpf olt, %sub3A_205, %select_n3A_193 : vector<2048x128xf32>
    %select_n3A_207 = arith.select %lt3A_206, %sub3A_205, %select_n3A_193 : vector<2048x128xi1>, vector<2048x128xf32>
    %jit3A_208 = arith.constant 14 : i32
    %broadcast_in_dim3A_209 = vector.broadcast %jit3A_208 : i32 to vector<2048x128xi32>
    %select_n3A_210 = arith.select %lt3A_206, %broadcast_in_dim3A_209, %select_n3A_196 : vector<2048x128xi1>, vector<2048x128xi32>
    %slice3A_211 = vector.extract_strided_slice %get3A_11 {offsets = [0, 1920], sizes = [1, 128], strides = [1, 1]} : vector<1x8192xf32> to vector<1x128xf32>
    %add3A_212 = vector.broadcast %get3A_8 : vector<2048x1xf32> to vector<2048x128xf32>
    %add3A_213 = vector.broadcast %slice3A_211 : vector<1x128xf32> to vector<2048x128xf32>
    %add3A_214 = arith.addf %add3A_212, %add3A_213 : vector<2048x128xf32>
    %slice3A_215 = vector.extract_strided_slice %dot_general3A_5 {offsets = [0, 1920], sizes = [2048, 128], strides = [1, 1]} : vector<2048x8192xf32> to vector<2048x128xf32>
    %mul3A_216 = arith.constant 2.000000e+00 : f32
    %mul3A_217 = vector.broadcast %mul3A_216 : f32 to vector<2048x128xf32>
    %mul3A_218 = arith.mulf %mul3A_217, %slice3A_215 : vector<2048x128xf32>
    %sub3A_219 = arith.subf %add3A_214, %mul3A_218 : vector<2048x128xf32>
    %lt3A_220 = arith.cmpf olt, %sub3A_219, %select_n3A_207 : vector<2048x128xf32>
    %select_n3A_221 = arith.select %lt3A_220, %sub3A_219, %select_n3A_207 : vector<2048x128xi1>, vector<2048x128xf32>
    %jit3A_222 = arith.constant 15 : i32
    %broadcast_in_dim3A_223 = vector.broadcast %jit3A_222 : i32 to vector<2048x128xi32>
    %select_n3A_224 = arith.select %lt3A_220, %broadcast_in_dim3A_223, %select_n3A_210 : vector<2048x128xi1>, vector<2048x128xi32>
    %mul3A_225 = arith.constant 128 : i32
    %mul3A_226 = vector.broadcast %mul3A_225 : i32 to vector<2048x128xi32>
    %mul3A_227 = arith.muli %select_n3A_224, %mul3A_226 : vector<2048x128xi32>
    %add3A_228 = arith.addi %mul3A_227, %iota3A : vector<2048x128xi32>
    %reduce_min3A = arith.constant dense<0x7F800000> : vector<2048xf32>
    %reduce_min3A_229 = vector.multi_reduction <minimumf>, %select_n3A_221, %reduce_min3A [1] : vector<2048x128xf32> to vector<2048xf32>
    %broadcast_in_dim3A_230 = vector.shape_cast %reduce_min3A_229 : vector<2048xf32> to vector<2048x1xf32>
    %eq3A = vector.broadcast %broadcast_in_dim3A_230 : vector<2048x1xf32> to vector<2048x128xf32>
    %eq3A_231 = arith.cmpf oeq, %select_n3A_221, %eq3A : vector<2048x128xf32>
    %jit3A_232 = arith.constant 8192 : i32
    %broadcast_in_dim3A_233 = vector.broadcast %jit3A_232 : i32 to vector<2048x128xi32>
    %select_n3A_234 = arith.select %eq3A_231, %add3A_228, %broadcast_in_dim3A_233 : vector<2048x128xi1>, vector<2048x128xi32>
    %reduce_min3A_235 = arith.constant dense<2147483647> : vector<2048xi32>
    %reduce_min3A_236 = vector.multi_reduction <minsi>, %select_n3A_234, %reduce_min3A_235 [1] : vector<2048x128xi32> to vector<2048xi32>
    %broadcast_in_dim3A_237 = vector.shape_cast %reduce_min3A_236 : vector<2048xi32> to vector<2048x1xi32>
    %add3A_238 = arith.constant 0 : i32
    %add3A_239 = vector.broadcast %add3A_238 : i32 to vector<2048x1xi32>
    %add3A_240 = arith.addi %broadcast_in_dim3A_237, %add3A_239 : vector<2048x1xi32>
    %convert_element_type3A = arith.truncf %broadcast_in_dim3A_230 : vector<2048x1xf32> to vector<2048x1xbf16>
    %convert_element_type3A_241 = arith.extf %convert_element_type3A : vector<2048x1xbf16> to vector<2048x1xf32>
    %slice3A_242 = vector.extract_strided_slice %get3A_11 {offsets = [0, 2048], sizes = [1, 128], strides = [1, 1]} : vector<1x8192xf32> to vector<1x128xf32>
    %add3A_243 = vector.broadcast %get3A_8 : vector<2048x1xf32> to vector<2048x128xf32>
    %add3A_244 = vector.broadcast %slice3A_242 : vector<1x128xf32> to vector<2048x128xf32>
    %add3A_245 = arith.addf %add3A_243, %add3A_244 : vector<2048x128xf32>
    %slice3A_246 = vector.extract_strided_slice %dot_general3A_5 {offsets = [0, 2048], sizes = [2048, 128], strides = [1, 1]} : vector<2048x8192xf32> to vector<2048x128xf32>
    %mul3A_247 = arith.constant 2.000000e+00 : f32
    %mul3A_248 = vector.broadcast %mul3A_247 : f32 to vector<2048x128xf32>
    %mul3A_249 = arith.mulf %mul3A_248, %slice3A_246 : vector<2048x128xf32>
    %sub3A_250 = arith.subf %add3A_245, %mul3A_249 : vector<2048x128xf32>
    %broadcast_in_dim3A_251 = arith.constant 0 : i32
    %broadcast_in_dim3A_252 = vector.broadcast %broadcast_in_dim3A_251 : i32 to vector<2048x128xi32>
    %slice3A_253 = vector.extract_strided_slice %get3A_11 {offsets = [0, 2176], sizes = [1, 128], strides = [1, 1]} : vector<1x8192xf32> to vector<1x128xf32>
    %add3A_254 = vector.broadcast %get3A_8 : vector<2048x1xf32> to vector<2048x128xf32>
    %add3A_255 = vector.broadcast %slice3A_253 : vector<1x128xf32> to vector<2048x128xf32>
    %add3A_256 = arith.addf %add3A_254, %add3A_255 : vector<2048x128xf32>
    %slice3A_257 = vector.extract_strided_slice %dot_general3A_5 {offsets = [0, 2176], sizes = [2048, 128], strides = [1, 1]} : vector<2048x8192xf32> to vector<2048x128xf32>
    %mul3A_258 = arith.constant 2.000000e+00 : f32
    %mul3A_259 = vector.broadcast %mul3A_258 : f32 to vector<2048x128xf32>
    %mul3A_260 = arith.mulf %mul3A_259, %slice3A_257 : vector<2048x128xf32>
    %sub3A_261 = arith.subf %add3A_256, %mul3A_260 : vector<2048x128xf32>
    %lt3A_262 = arith.cmpf olt, %sub3A_261, %sub3A_250 : vector<2048x128xf32>
    %select_n3A_263 = arith.select %lt3A_262, %sub3A_261, %sub3A_250 : vector<2048x128xi1>, vector<2048x128xf32>
    %jit3A_264 = arith.constant 1 : i32
    %broadcast_in_dim3A_265 = vector.broadcast %jit3A_264 : i32 to vector<2048x128xi32>
    %select_n3A_266 = arith.select %lt3A_262, %broadcast_in_dim3A_265, %broadcast_in_dim3A_252 : vector<2048x128xi1>, vector<2048x128xi32>
    %slice3A_267 = vector.extract_strided_slice %get3A_11 {offsets = [0, 2304], sizes = [1, 128], strides = [1, 1]} : vector<1x8192xf32> to vector<1x128xf32>
    %add3A_268 = vector.broadcast %get3A_8 : vector<2048x1xf32> to vector<2048x128xf32>
    %add3A_269 = vector.broadcast %slice3A_267 : vector<1x128xf32> to vector<2048x128xf32>
    %add3A_270 = arith.addf %add3A_268, %add3A_269 : vector<2048x128xf32>
    %slice3A_271 = vector.extract_strided_slice %dot_general3A_5 {offsets = [0, 2304], sizes = [2048, 128], strides = [1, 1]} : vector<2048x8192xf32> to vector<2048x128xf32>
    %mul3A_272 = arith.constant 2.000000e+00 : f32
    %mul3A_273 = vector.broadcast %mul3A_272 : f32 to vector<2048x128xf32>
    %mul3A_274 = arith.mulf %mul3A_273, %slice3A_271 : vector<2048x128xf32>
    %sub3A_275 = arith.subf %add3A_270, %mul3A_274 : vector<2048x128xf32>
    %lt3A_276 = arith.cmpf olt, %sub3A_275, %select_n3A_263 : vector<2048x128xf32>
    %select_n3A_277 = arith.select %lt3A_276, %sub3A_275, %select_n3A_263 : vector<2048x128xi1>, vector<2048x128xf32>
    %jit3A_278 = arith.constant 2 : i32
    %broadcast_in_dim3A_279 = vector.broadcast %jit3A_278 : i32 to vector<2048x128xi32>
    %select_n3A_280 = arith.select %lt3A_276, %broadcast_in_dim3A_279, %select_n3A_266 : vector<2048x128xi1>, vector<2048x128xi32>
    %slice3A_281 = vector.extract_strided_slice %get3A_11 {offsets = [0, 2432], sizes = [1, 128], strides = [1, 1]} : vector<1x8192xf32> to vector<1x128xf32>
    %add3A_282 = vector.broadcast %get3A_8 : vector<2048x1xf32> to vector<2048x128xf32>
    %add3A_283 = vector.broadcast %slice3A_281 : vector<1x128xf32> to vector<2048x128xf32>
    %add3A_284 = arith.addf %add3A_282, %add3A_283 : vector<2048x128xf32>
    %slice3A_285 = vector.extract_strided_slice %dot_general3A_5 {offsets = [0, 2432], sizes = [2048, 128], strides = [1, 1]} : vector<2048x8192xf32> to vector<2048x128xf32>
    %mul3A_286 = arith.constant 2.000000e+00 : f32
    %mul3A_287 = vector.broadcast %mul3A_286 : f32 to vector<2048x128xf32>
    %mul3A_288 = arith.mulf %mul3A_287, %slice3A_285 : vector<2048x128xf32>
    %sub3A_289 = arith.subf %add3A_284, %mul3A_288 : vector<2048x128xf32>
    %lt3A_290 = arith.cmpf olt, %sub3A_289, %select_n3A_277 : vector<2048x128xf32>
    %select_n3A_291 = arith.select %lt3A_290, %sub3A_289, %select_n3A_277 : vector<2048x128xi1>, vector<2048x128xf32>
    %jit3A_292 = arith.constant 3 : i32
    %broadcast_in_dim3A_293 = vector.broadcast %jit3A_292 : i32 to vector<2048x128xi32>
    %select_n3A_294 = arith.select %lt3A_290, %broadcast_in_dim3A_293, %select_n3A_280 : vector<2048x128xi1>, vector<2048x128xi32>
    %slice3A_295 = vector.extract_strided_slice %get3A_11 {offsets = [0, 2560], sizes = [1, 128], strides = [1, 1]} : vector<1x8192xf32> to vector<1x128xf32>
    %add3A_296 = vector.broadcast %get3A_8 : vector<2048x1xf32> to vector<2048x128xf32>
    %add3A_297 = vector.broadcast %slice3A_295 : vector<1x128xf32> to vector<2048x128xf32>
    %add3A_298 = arith.addf %add3A_296, %add3A_297 : vector<2048x128xf32>
    %slice3A_299 = vector.extract_strided_slice %dot_general3A_5 {offsets = [0, 2560], sizes = [2048, 128], strides = [1, 1]} : vector<2048x8192xf32> to vector<2048x128xf32>
    %mul3A_300 = arith.constant 2.000000e+00 : f32
    %mul3A_301 = vector.broadcast %mul3A_300 : f32 to vector<2048x128xf32>
    %mul3A_302 = arith.mulf %mul3A_301, %slice3A_299 : vector<2048x128xf32>
    %sub3A_303 = arith.subf %add3A_298, %mul3A_302 : vector<2048x128xf32>
    %lt3A_304 = arith.cmpf olt, %sub3A_303, %select_n3A_291 : vector<2048x128xf32>
    %select_n3A_305 = arith.select %lt3A_304, %sub3A_303, %select_n3A_291 : vector<2048x128xi1>, vector<2048x128xf32>
    %jit3A_306 = arith.constant 4 : i32
    %broadcast_in_dim3A_307 = vector.broadcast %jit3A_306 : i32 to vector<2048x128xi32>
    %select_n3A_308 = arith.select %lt3A_304, %broadcast_in_dim3A_307, %select_n3A_294 : vector<2048x128xi1>, vector<2048x128xi32>
    %slice3A_309 = vector.extract_strided_slice %get3A_11 {offsets = [0, 2688], sizes = [1, 128], strides = [1, 1]} : vector<1x8192xf32> to vector<1x128xf32>
    %add3A_310 = vector.broadcast %get3A_8 : vector<2048x1xf32> to vector<2048x128xf32>
    %add3A_311 = vector.broadcast %slice3A_309 : vector<1x128xf32> to vector<2048x128xf32>
    %add3A_312 = arith.addf %add3A_310, %add3A_311 : vector<2048x128xf32>
    %slice3A_313 = vector.extract_strided_slice %dot_general3A_5 {offsets = [0, 2688], sizes = [2048, 128], strides = [1, 1]} : vector<2048x8192xf32> to vector<2048x128xf32>
    %mul3A_314 = arith.constant 2.000000e+00 : f32
    %mul3A_315 = vector.broadcast %mul3A_314 : f32 to vector<2048x128xf32>
    %mul3A_316 = arith.mulf %mul3A_315, %slice3A_313 : vector<2048x128xf32>
    %sub3A_317 = arith.subf %add3A_312, %mul3A_316 : vector<2048x128xf32>
    %lt3A_318 = arith.cmpf olt, %sub3A_317, %select_n3A_305 : vector<2048x128xf32>
    %select_n3A_319 = arith.select %lt3A_318, %sub3A_317, %select_n3A_305 : vector<2048x128xi1>, vector<2048x128xf32>
    %jit3A_320 = arith.constant 5 : i32
    %broadcast_in_dim3A_321 = vector.broadcast %jit3A_320 : i32 to vector<2048x128xi32>
    %select_n3A_322 = arith.select %lt3A_318, %broadcast_in_dim3A_321, %select_n3A_308 : vector<2048x128xi1>, vector<2048x128xi32>
    %slice3A_323 = vector.extract_strided_slice %get3A_11 {offsets = [0, 2816], sizes = [1, 128], strides = [1, 1]} : vector<1x8192xf32> to vector<1x128xf32>
    %add3A_324 = vector.broadcast %get3A_8 : vector<2048x1xf32> to vector<2048x128xf32>
    %add3A_325 = vector.broadcast %slice3A_323 : vector<1x128xf32> to vector<2048x128xf32>
    %add3A_326 = arith.addf %add3A_324, %add3A_325 : vector<2048x128xf32>
    %slice3A_327 = vector.extract_strided_slice %dot_general3A_5 {offsets = [0, 2816], sizes = [2048, 128], strides = [1, 1]} : vector<2048x8192xf32> to vector<2048x128xf32>
    %mul3A_328 = arith.constant 2.000000e+00 : f32
    %mul3A_329 = vector.broadcast %mul3A_328 : f32 to vector<2048x128xf32>
    %mul3A_330 = arith.mulf %mul3A_329, %slice3A_327 : vector<2048x128xf32>
    %sub3A_331 = arith.subf %add3A_326, %mul3A_330 : vector<2048x128xf32>
    %lt3A_332 = arith.cmpf olt, %sub3A_331, %select_n3A_319 : vector<2048x128xf32>
    %select_n3A_333 = arith.select %lt3A_332, %sub3A_331, %select_n3A_319 : vector<2048x128xi1>, vector<2048x128xf32>
    %jit3A_334 = arith.constant 6 : i32
    %broadcast_in_dim3A_335 = vector.broadcast %jit3A_334 : i32 to vector<2048x128xi32>
    %select_n3A_336 = arith.select %lt3A_332, %broadcast_in_dim3A_335, %select_n3A_322 : vector<2048x128xi1>, vector<2048x128xi32>
    %slice3A_337 = vector.extract_strided_slice %get3A_11 {offsets = [0, 2944], sizes = [1, 128], strides = [1, 1]} : vector<1x8192xf32> to vector<1x128xf32>
    %add3A_338 = vector.broadcast %get3A_8 : vector<2048x1xf32> to vector<2048x128xf32>
    %add3A_339 = vector.broadcast %slice3A_337 : vector<1x128xf32> to vector<2048x128xf32>
    %add3A_340 = arith.addf %add3A_338, %add3A_339 : vector<2048x128xf32>
    %slice3A_341 = vector.extract_strided_slice %dot_general3A_5 {offsets = [0, 2944], sizes = [2048, 128], strides = [1, 1]} : vector<2048x8192xf32> to vector<2048x128xf32>
    %mul3A_342 = arith.constant 2.000000e+00 : f32
    %mul3A_343 = vector.broadcast %mul3A_342 : f32 to vector<2048x128xf32>
    %mul3A_344 = arith.mulf %mul3A_343, %slice3A_341 : vector<2048x128xf32>
    %sub3A_345 = arith.subf %add3A_340, %mul3A_344 : vector<2048x128xf32>
    %lt3A_346 = arith.cmpf olt, %sub3A_345, %select_n3A_333 : vector<2048x128xf32>
    %select_n3A_347 = arith.select %lt3A_346, %sub3A_345, %select_n3A_333 : vector<2048x128xi1>, vector<2048x128xf32>
    %jit3A_348 = arith.constant 7 : i32
    %broadcast_in_dim3A_349 = vector.broadcast %jit3A_348 : i32 to vector<2048x128xi32>
    %select_n3A_350 = arith.select %lt3A_346, %broadcast_in_dim3A_349, %select_n3A_336 : vector<2048x128xi1>, vector<2048x128xi32>
    %slice3A_351 = vector.extract_strided_slice %get3A_11 {offsets = [0, 3072], sizes = [1, 128], strides = [1, 1]} : vector<1x8192xf32> to vector<1x128xf32>
    %add3A_352 = vector.broadcast %get3A_8 : vector<2048x1xf32> to vector<2048x128xf32>
    %add3A_353 = vector.broadcast %slice3A_351 : vector<1x128xf32> to vector<2048x128xf32>
    %add3A_354 = arith.addf %add3A_352, %add3A_353 : vector<2048x128xf32>
    %slice3A_355 = vector.extract_strided_slice %dot_general3A_5 {offsets = [0, 3072], sizes = [2048, 128], strides = [1, 1]} : vector<2048x8192xf32> to vector<2048x128xf32>
    %mul3A_356 = arith.constant 2.000000e+00 : f32
    %mul3A_357 = vector.broadcast %mul3A_356 : f32 to vector<2048x128xf32>
    %mul3A_358 = arith.mulf %mul3A_357, %slice3A_355 : vector<2048x128xf32>
    %sub3A_359 = arith.subf %add3A_354, %mul3A_358 : vector<2048x128xf32>
    %lt3A_360 = arith.cmpf olt, %sub3A_359, %select_n3A_347 : vector<2048x128xf32>
    %select_n3A_361 = arith.select %lt3A_360, %sub3A_359, %select_n3A_347 : vector<2048x128xi1>, vector<2048x128xf32>
    %jit3A_362 = arith.constant 8 : i32
    %broadcast_in_dim3A_363 = vector.broadcast %jit3A_362 : i32 to vector<2048x128xi32>
    %select_n3A_364 = arith.select %lt3A_360, %broadcast_in_dim3A_363, %select_n3A_350 : vector<2048x128xi1>, vector<2048x128xi32>
    %slice3A_365 = vector.extract_strided_slice %get3A_11 {offsets = [0, 3200], sizes = [1, 128], strides = [1, 1]} : vector<1x8192xf32> to vector<1x128xf32>
    %add3A_366 = vector.broadcast %get3A_8 : vector<2048x1xf32> to vector<2048x128xf32>
    %add3A_367 = vector.broadcast %slice3A_365 : vector<1x128xf32> to vector<2048x128xf32>
    %add3A_368 = arith.addf %add3A_366, %add3A_367 : vector<2048x128xf32>
    %slice3A_369 = vector.extract_strided_slice %dot_general3A_5 {offsets = [0, 3200], sizes = [2048, 128], strides = [1, 1]} : vector<2048x8192xf32> to vector<2048x128xf32>
    %mul3A_370 = arith.constant 2.000000e+00 : f32
    %mul3A_371 = vector.broadcast %mul3A_370 : f32 to vector<2048x128xf32>
    %mul3A_372 = arith.mulf %mul3A_371, %slice3A_369 : vector<2048x128xf32>
    %sub3A_373 = arith.subf %add3A_368, %mul3A_372 : vector<2048x128xf32>
    %lt3A_374 = arith.cmpf olt, %sub3A_373, %select_n3A_361 : vector<2048x128xf32>
    %select_n3A_375 = arith.select %lt3A_374, %sub3A_373, %select_n3A_361 : vector<2048x128xi1>, vector<2048x128xf32>
    %jit3A_376 = arith.constant 9 : i32
    %broadcast_in_dim3A_377 = vector.broadcast %jit3A_376 : i32 to vector<2048x128xi32>
    %select_n3A_378 = arith.select %lt3A_374, %broadcast_in_dim3A_377, %select_n3A_364 : vector<2048x128xi1>, vector<2048x128xi32>
    %slice3A_379 = vector.extract_strided_slice %get3A_11 {offsets = [0, 3328], sizes = [1, 128], strides = [1, 1]} : vector<1x8192xf32> to vector<1x128xf32>
    %add3A_380 = vector.broadcast %get3A_8 : vector<2048x1xf32> to vector<2048x128xf32>
    %add3A_381 = vector.broadcast %slice3A_379 : vector<1x128xf32> to vector<2048x128xf32>
    %add3A_382 = arith.addf %add3A_380, %add3A_381 : vector<2048x128xf32>
    %slice3A_383 = vector.extract_strided_slice %dot_general3A_5 {offsets = [0, 3328], sizes = [2048, 128], strides = [1, 1]} : vector<2048x8192xf32> to vector<2048x128xf32>
    %mul3A_384 = arith.constant 2.000000e+00 : f32
    %mul3A_385 = vector.broadcast %mul3A_384 : f32 to vector<2048x128xf32>
    %mul3A_386 = arith.mulf %mul3A_385, %slice3A_383 : vector<2048x128xf32>
    %sub3A_387 = arith.subf %add3A_382, %mul3A_386 : vector<2048x128xf32>
    %lt3A_388 = arith.cmpf olt, %sub3A_387, %select_n3A_375 : vector<2048x128xf32>
    %select_n3A_389 = arith.select %lt3A_388, %sub3A_387, %select_n3A_375 : vector<2048x128xi1>, vector<2048x128xf32>
    %jit3A_390 = arith.constant 10 : i32
    %broadcast_in_dim3A_391 = vector.broadcast %jit3A_390 : i32 to vector<2048x128xi32>
    %select_n3A_392 = arith.select %lt3A_388, %broadcast_in_dim3A_391, %select_n3A_378 : vector<2048x128xi1>, vector<2048x128xi32>
    %slice3A_393 = vector.extract_strided_slice %get3A_11 {offsets = [0, 3456], sizes = [1, 128], strides = [1, 1]} : vector<1x8192xf32> to vector<1x128xf32>
    %add3A_394 = vector.broadcast %get3A_8 : vector<2048x1xf32> to vector<2048x128xf32>
    %add3A_395 = vector.broadcast %slice3A_393 : vector<1x128xf32> to vector<2048x128xf32>
    %add3A_396 = arith.addf %add3A_394, %add3A_395 : vector<2048x128xf32>
    %slice3A_397 = vector.extract_strided_slice %dot_general3A_5 {offsets = [0, 3456], sizes = [2048, 128], strides = [1, 1]} : vector<2048x8192xf32> to vector<2048x128xf32>
    %mul3A_398 = arith.constant 2.000000e+00 : f32
    %mul3A_399 = vector.broadcast %mul3A_398 : f32 to vector<2048x128xf32>
    %mul3A_400 = arith.mulf %mul3A_399, %slice3A_397 : vector<2048x128xf32>
    %sub3A_401 = arith.subf %add3A_396, %mul3A_400 : vector<2048x128xf32>
    %lt3A_402 = arith.cmpf olt, %sub3A_401, %select_n3A_389 : vector<2048x128xf32>
    %select_n3A_403 = arith.select %lt3A_402, %sub3A_401, %select_n3A_389 : vector<2048x128xi1>, vector<2048x128xf32>
    %jit3A_404 = arith.constant 11 : i32
    %broadcast_in_dim3A_405 = vector.broadcast %jit3A_404 : i32 to vector<2048x128xi32>
    %select_n3A_406 = arith.select %lt3A_402, %broadcast_in_dim3A_405, %select_n3A_392 : vector<2048x128xi1>, vector<2048x128xi32>
    %slice3A_407 = vector.extract_strided_slice %get3A_11 {offsets = [0, 3584], sizes = [1, 128], strides = [1, 1]} : vector<1x8192xf32> to vector<1x128xf32>
    %add3A_408 = vector.broadcast %get3A_8 : vector<2048x1xf32> to vector<2048x128xf32>
    %add3A_409 = vector.broadcast %slice3A_407 : vector<1x128xf32> to vector<2048x128xf32>
    %add3A_410 = arith.addf %add3A_408, %add3A_409 : vector<2048x128xf32>
    %slice3A_411 = vector.extract_strided_slice %dot_general3A_5 {offsets = [0, 3584], sizes = [2048, 128], strides = [1, 1]} : vector<2048x8192xf32> to vector<2048x128xf32>
    %mul3A_412 = arith.constant 2.000000e+00 : f32
    %mul3A_413 = vector.broadcast %mul3A_412 : f32 to vector<2048x128xf32>
    %mul3A_414 = arith.mulf %mul3A_413, %slice3A_411 : vector<2048x128xf32>
    %sub3A_415 = arith.subf %add3A_410, %mul3A_414 : vector<2048x128xf32>
    %lt3A_416 = arith.cmpf olt, %sub3A_415, %select_n3A_403 : vector<2048x128xf32>
    %select_n3A_417 = arith.select %lt3A_416, %sub3A_415, %select_n3A_403 : vector<2048x128xi1>, vector<2048x128xf32>
    %jit3A_418 = arith.constant 12 : i32
    %broadcast_in_dim3A_419 = vector.broadcast %jit3A_418 : i32 to vector<2048x128xi32>
    %select_n3A_420 = arith.select %lt3A_416, %broadcast_in_dim3A_419, %select_n3A_406 : vector<2048x128xi1>, vector<2048x128xi32>
    %slice3A_421 = vector.extract_strided_slice %get3A_11 {offsets = [0, 3712], sizes = [1, 128], strides = [1, 1]} : vector<1x8192xf32> to vector<1x128xf32>
    %add3A_422 = vector.broadcast %get3A_8 : vector<2048x1xf32> to vector<2048x128xf32>
    %add3A_423 = vector.broadcast %slice3A_421 : vector<1x128xf32> to vector<2048x128xf32>
    %add3A_424 = arith.addf %add3A_422, %add3A_423 : vector<2048x128xf32>
    %slice3A_425 = vector.extract_strided_slice %dot_general3A_5 {offsets = [0, 3712], sizes = [2048, 128], strides = [1, 1]} : vector<2048x8192xf32> to vector<2048x128xf32>
    %mul3A_426 = arith.constant 2.000000e+00 : f32
    %mul3A_427 = vector.broadcast %mul3A_426 : f32 to vector<2048x128xf32>
    %mul3A_428 = arith.mulf %mul3A_427, %slice3A_425 : vector<2048x128xf32>
    %sub3A_429 = arith.subf %add3A_424, %mul3A_428 : vector<2048x128xf32>
    %lt3A_430 = arith.cmpf olt, %sub3A_429, %select_n3A_417 : vector<2048x128xf32>
    %select_n3A_431 = arith.select %lt3A_430, %sub3A_429, %select_n3A_417 : vector<2048x128xi1>, vector<2048x128xf32>
    %jit3A_432 = arith.constant 13 : i32
    %broadcast_in_dim3A_433 = vector.broadcast %jit3A_432 : i32 to vector<2048x128xi32>
    %select_n3A_434 = arith.select %lt3A_430, %broadcast_in_dim3A_433, %select_n3A_420 : vector<2048x128xi1>, vector<2048x128xi32>
    %slice3A_435 = vector.extract_strided_slice %get3A_11 {offsets = [0, 3840], sizes = [1, 128], strides = [1, 1]} : vector<1x8192xf32> to vector<1x128xf32>
    %add3A_436 = vector.broadcast %get3A_8 : vector<2048x1xf32> to vector<2048x128xf32>
    %add3A_437 = vector.broadcast %slice3A_435 : vector<1x128xf32> to vector<2048x128xf32>
    %add3A_438 = arith.addf %add3A_436, %add3A_437 : vector<2048x128xf32>
    %slice3A_439 = vector.extract_strided_slice %dot_general3A_5 {offsets = [0, 3840], sizes = [2048, 128], strides = [1, 1]} : vector<2048x8192xf32> to vector<2048x128xf32>
    %mul3A_440 = arith.constant 2.000000e+00 : f32
    %mul3A_441 = vector.broadcast %mul3A_440 : f32 to vector<2048x128xf32>
    %mul3A_442 = arith.mulf %mul3A_441, %slice3A_439 : vector<2048x128xf32>
    %sub3A_443 = arith.subf %add3A_438, %mul3A_442 : vector<2048x128xf32>
    %lt3A_444 = arith.cmpf olt, %sub3A_443, %select_n3A_431 : vector<2048x128xf32>
    %select_n3A_445 = arith.select %lt3A_444, %sub3A_443, %select_n3A_431 : vector<2048x128xi1>, vector<2048x128xf32>
    %jit3A_446 = arith.constant 14 : i32
    %broadcast_in_dim3A_447 = vector.broadcast %jit3A_446 : i32 to vector<2048x128xi32>
    %select_n3A_448 = arith.select %lt3A_444, %broadcast_in_dim3A_447, %select_n3A_434 : vector<2048x128xi1>, vector<2048x128xi32>
    %slice3A_449 = vector.extract_strided_slice %get3A_11 {offsets = [0, 3968], sizes = [1, 128], strides = [1, 1]} : vector<1x8192xf32> to vector<1x128xf32>
    %add3A_450 = vector.broadcast %get3A_8 : vector<2048x1xf32> to vector<2048x128xf32>
    %add3A_451 = vector.broadcast %slice3A_449 : vector<1x128xf32> to vector<2048x128xf32>
    %add3A_452 = arith.addf %add3A_450, %add3A_451 : vector<2048x128xf32>
    %slice3A_453 = vector.extract_strided_slice %dot_general3A_5 {offsets = [0, 3968], sizes = [2048, 128], strides = [1, 1]} : vector<2048x8192xf32> to vector<2048x128xf32>
    %mul3A_454 = arith.constant 2.000000e+00 : f32
    %mul3A_455 = vector.broadcast %mul3A_454 : f32 to vector<2048x128xf32>
    %mul3A_456 = arith.mulf %mul3A_455, %slice3A_453 : vector<2048x128xf32>
    %sub3A_457 = arith.subf %add3A_452, %mul3A_456 : vector<2048x128xf32>
    %lt3A_458 = arith.cmpf olt, %sub3A_457, %select_n3A_445 : vector<2048x128xf32>
    %select_n3A_459 = arith.select %lt3A_458, %sub3A_457, %select_n3A_445 : vector<2048x128xi1>, vector<2048x128xf32>
    %jit3A_460 = arith.constant 15 : i32
    %broadcast_in_dim3A_461 = vector.broadcast %jit3A_460 : i32 to vector<2048x128xi32>
    %select_n3A_462 = arith.select %lt3A_458, %broadcast_in_dim3A_461, %select_n3A_448 : vector<2048x128xi1>, vector<2048x128xi32>
    %mul3A_463 = arith.constant 128 : i32
    %mul3A_464 = vector.broadcast %mul3A_463 : i32 to vector<2048x128xi32>
    %mul3A_465 = arith.muli %select_n3A_462, %mul3A_464 : vector<2048x128xi32>
    %add3A_466 = arith.addi %mul3A_465, %iota3A : vector<2048x128xi32>
    %reduce_min3A_467 = arith.constant dense<0x7F800000> : vector<2048xf32>
    %reduce_min3A_468 = vector.multi_reduction <minimumf>, %select_n3A_459, %reduce_min3A_467 [1] : vector<2048x128xf32> to vector<2048xf32>
    %broadcast_in_dim3A_469 = vector.shape_cast %reduce_min3A_468 : vector<2048xf32> to vector<2048x1xf32>
    %eq3A_470 = vector.broadcast %broadcast_in_dim3A_469 : vector<2048x1xf32> to vector<2048x128xf32>
    %eq3A_471 = arith.cmpf oeq, %select_n3A_459, %eq3A_470 : vector<2048x128xf32>
    %jit3A_472 = arith.constant 8192 : i32
    %broadcast_in_dim3A_473 = vector.broadcast %jit3A_472 : i32 to vector<2048x128xi32>
    %select_n3A_474 = arith.select %eq3A_471, %add3A_466, %broadcast_in_dim3A_473 : vector<2048x128xi1>, vector<2048x128xi32>
    %reduce_min3A_475 = arith.constant dense<2147483647> : vector<2048xi32>
    %reduce_min3A_476 = vector.multi_reduction <minsi>, %select_n3A_474, %reduce_min3A_475 [1] : vector<2048x128xi32> to vector<2048xi32>
    %broadcast_in_dim3A_477 = vector.shape_cast %reduce_min3A_476 : vector<2048xi32> to vector<2048x1xi32>
    %add3A_478 = arith.constant 2048 : i32
    %add3A_479 = vector.broadcast %add3A_478 : i32 to vector<2048x1xi32>
    %add3A_480 = arith.addi %broadcast_in_dim3A_477, %add3A_479 : vector<2048x1xi32>
    %lt3A_481 = arith.cmpf olt, %broadcast_in_dim3A_469, %convert_element_type3A_241 : vector<2048x1xf32>
    %convert_element_type3A_482 = arith.truncf %broadcast_in_dim3A_469 : vector<2048x1xf32> to vector<2048x1xbf16>
    %convert_element_type3A_483 = arith.extf %convert_element_type3A_482 : vector<2048x1xbf16> to vector<2048x1xf32>
    %select_n3A_484 = arith.select %lt3A_481, %convert_element_type3A_483, %convert_element_type3A_241 : vector<2048x1xi1>, vector<2048x1xf32>
    %select_n3A_485 = arith.select %lt3A_481, %broadcast_in_dim3A_469, %broadcast_in_dim3A_230 : vector<2048x1xi1>, vector<2048x1xf32>
    %select_n3A_486 = arith.select %lt3A_481, %add3A_480, %add3A_240 : vector<2048x1xi1>, vector<2048x1xi32>
    %slice3A_487 = vector.extract_strided_slice %get3A_11 {offsets = [0, 4096], sizes = [1, 128], strides = [1, 1]} : vector<1x8192xf32> to vector<1x128xf32>
    %add3A_488 = vector.broadcast %get3A_8 : vector<2048x1xf32> to vector<2048x128xf32>
    %add3A_489 = vector.broadcast %slice3A_487 : vector<1x128xf32> to vector<2048x128xf32>
    %add3A_490 = arith.addf %add3A_488, %add3A_489 : vector<2048x128xf32>
    %slice3A_491 = vector.extract_strided_slice %dot_general3A_5 {offsets = [0, 4096], sizes = [2048, 128], strides = [1, 1]} : vector<2048x8192xf32> to vector<2048x128xf32>
    %mul3A_492 = arith.constant 2.000000e+00 : f32
    %mul3A_493 = vector.broadcast %mul3A_492 : f32 to vector<2048x128xf32>
    %mul3A_494 = arith.mulf %mul3A_493, %slice3A_491 : vector<2048x128xf32>
    %sub3A_495 = arith.subf %add3A_490, %mul3A_494 : vector<2048x128xf32>
    %broadcast_in_dim3A_496 = arith.constant 0 : i32
    %broadcast_in_dim3A_497 = vector.broadcast %broadcast_in_dim3A_496 : i32 to vector<2048x128xi32>
    %slice3A_498 = vector.extract_strided_slice %get3A_11 {offsets = [0, 4224], sizes = [1, 128], strides = [1, 1]} : vector<1x8192xf32> to vector<1x128xf32>
    %add3A_499 = vector.broadcast %get3A_8 : vector<2048x1xf32> to vector<2048x128xf32>
    %add3A_500 = vector.broadcast %slice3A_498 : vector<1x128xf32> to vector<2048x128xf32>
    %add3A_501 = arith.addf %add3A_499, %add3A_500 : vector<2048x128xf32>
    %slice3A_502 = vector.extract_strided_slice %dot_general3A_5 {offsets = [0, 4224], sizes = [2048, 128], strides = [1, 1]} : vector<2048x8192xf32> to vector<2048x128xf32>
    %mul3A_503 = arith.constant 2.000000e+00 : f32
    %mul3A_504 = vector.broadcast %mul3A_503 : f32 to vector<2048x128xf32>
    %mul3A_505 = arith.mulf %mul3A_504, %slice3A_502 : vector<2048x128xf32>
    %sub3A_506 = arith.subf %add3A_501, %mul3A_505 : vector<2048x128xf32>
    %lt3A_507 = arith.cmpf olt, %sub3A_506, %sub3A_495 : vector<2048x128xf32>
    %select_n3A_508 = arith.select %lt3A_507, %sub3A_506, %sub3A_495 : vector<2048x128xi1>, vector<2048x128xf32>
    %jit3A_509 = arith.constant 1 : i32
    %broadcast_in_dim3A_510 = vector.broadcast %jit3A_509 : i32 to vector<2048x128xi32>
    %select_n3A_511 = arith.select %lt3A_507, %broadcast_in_dim3A_510, %broadcast_in_dim3A_497 : vector<2048x128xi1>, vector<2048x128xi32>
    %slice3A_512 = vector.extract_strided_slice %get3A_11 {offsets = [0, 4352], sizes = [1, 128], strides = [1, 1]} : vector<1x8192xf32> to vector<1x128xf32>
    %add3A_513 = vector.broadcast %get3A_8 : vector<2048x1xf32> to vector<2048x128xf32>
    %add3A_514 = vector.broadcast %slice3A_512 : vector<1x128xf32> to vector<2048x128xf32>
    %add3A_515 = arith.addf %add3A_513, %add3A_514 : vector<2048x128xf32>
    %slice3A_516 = vector.extract_strided_slice %dot_general3A_5 {offsets = [0, 4352], sizes = [2048, 128], strides = [1, 1]} : vector<2048x8192xf32> to vector<2048x128xf32>
    %mul3A_517 = arith.constant 2.000000e+00 : f32
    %mul3A_518 = vector.broadcast %mul3A_517 : f32 to vector<2048x128xf32>
    %mul3A_519 = arith.mulf %mul3A_518, %slice3A_516 : vector<2048x128xf32>
    %sub3A_520 = arith.subf %add3A_515, %mul3A_519 : vector<2048x128xf32>
    %lt3A_521 = arith.cmpf olt, %sub3A_520, %select_n3A_508 : vector<2048x128xf32>
    %select_n3A_522 = arith.select %lt3A_521, %sub3A_520, %select_n3A_508 : vector<2048x128xi1>, vector<2048x128xf32>
    %jit3A_523 = arith.constant 2 : i32
    %broadcast_in_dim3A_524 = vector.broadcast %jit3A_523 : i32 to vector<2048x128xi32>
    %select_n3A_525 = arith.select %lt3A_521, %broadcast_in_dim3A_524, %select_n3A_511 : vector<2048x128xi1>, vector<2048x128xi32>
    %slice3A_526 = vector.extract_strided_slice %get3A_11 {offsets = [0, 4480], sizes = [1, 128], strides = [1, 1]} : vector<1x8192xf32> to vector<1x128xf32>
    %add3A_527 = vector.broadcast %get3A_8 : vector<2048x1xf32> to vector<2048x128xf32>
    %add3A_528 = vector.broadcast %slice3A_526 : vector<1x128xf32> to vector<2048x128xf32>
    %add3A_529 = arith.addf %add3A_527, %add3A_528 : vector<2048x128xf32>
    %slice3A_530 = vector.extract_strided_slice %dot_general3A_5 {offsets = [0, 4480], sizes = [2048, 128], strides = [1, 1]} : vector<2048x8192xf32> to vector<2048x128xf32>
    %mul3A_531 = arith.constant 2.000000e+00 : f32
    %mul3A_532 = vector.broadcast %mul3A_531 : f32 to vector<2048x128xf32>
    %mul3A_533 = arith.mulf %mul3A_532, %slice3A_530 : vector<2048x128xf32>
    %sub3A_534 = arith.subf %add3A_529, %mul3A_533 : vector<2048x128xf32>
    %lt3A_535 = arith.cmpf olt, %sub3A_534, %select_n3A_522 : vector<2048x128xf32>
    %select_n3A_536 = arith.select %lt3A_535, %sub3A_534, %select_n3A_522 : vector<2048x128xi1>, vector<2048x128xf32>
    %jit3A_537 = arith.constant 3 : i32
    %broadcast_in_dim3A_538 = vector.broadcast %jit3A_537 : i32 to vector<2048x128xi32>
    %select_n3A_539 = arith.select %lt3A_535, %broadcast_in_dim3A_538, %select_n3A_525 : vector<2048x128xi1>, vector<2048x128xi32>
    %slice3A_540 = vector.extract_strided_slice %get3A_11 {offsets = [0, 4608], sizes = [1, 128], strides = [1, 1]} : vector<1x8192xf32> to vector<1x128xf32>
    %add3A_541 = vector.broadcast %get3A_8 : vector<2048x1xf32> to vector<2048x128xf32>
    %add3A_542 = vector.broadcast %slice3A_540 : vector<1x128xf32> to vector<2048x128xf32>
    %add3A_543 = arith.addf %add3A_541, %add3A_542 : vector<2048x128xf32>
    %slice3A_544 = vector.extract_strided_slice %dot_general3A_5 {offsets = [0, 4608], sizes = [2048, 128], strides = [1, 1]} : vector<2048x8192xf32> to vector<2048x128xf32>
    %mul3A_545 = arith.constant 2.000000e+00 : f32
    %mul3A_546 = vector.broadcast %mul3A_545 : f32 to vector<2048x128xf32>
    %mul3A_547 = arith.mulf %mul3A_546, %slice3A_544 : vector<2048x128xf32>
    %sub3A_548 = arith.subf %add3A_543, %mul3A_547 : vector<2048x128xf32>
    %lt3A_549 = arith.cmpf olt, %sub3A_548, %select_n3A_536 : vector<2048x128xf32>
    %select_n3A_550 = arith.select %lt3A_549, %sub3A_548, %select_n3A_536 : vector<2048x128xi1>, vector<2048x128xf32>
    %jit3A_551 = arith.constant 4 : i32
    %broadcast_in_dim3A_552 = vector.broadcast %jit3A_551 : i32 to vector<2048x128xi32>
    %select_n3A_553 = arith.select %lt3A_549, %broadcast_in_dim3A_552, %select_n3A_539 : vector<2048x128xi1>, vector<2048x128xi32>
    %slice3A_554 = vector.extract_strided_slice %get3A_11 {offsets = [0, 4736], sizes = [1, 128], strides = [1, 1]} : vector<1x8192xf32> to vector<1x128xf32>
    %add3A_555 = vector.broadcast %get3A_8 : vector<2048x1xf32> to vector<2048x128xf32>
    %add3A_556 = vector.broadcast %slice3A_554 : vector<1x128xf32> to vector<2048x128xf32>
    %add3A_557 = arith.addf %add3A_555, %add3A_556 : vector<2048x128xf32>
    %slice3A_558 = vector.extract_strided_slice %dot_general3A_5 {offsets = [0, 4736], sizes = [2048, 128], strides = [1, 1]} : vector<2048x8192xf32> to vector<2048x128xf32>
    %mul3A_559 = arith.constant 2.000000e+00 : f32
    %mul3A_560 = vector.broadcast %mul3A_559 : f32 to vector<2048x128xf32>
    %mul3A_561 = arith.mulf %mul3A_560, %slice3A_558 : vector<2048x128xf32>
    %sub3A_562 = arith.subf %add3A_557, %mul3A_561 : vector<2048x128xf32>
    %lt3A_563 = arith.cmpf olt, %sub3A_562, %select_n3A_550 : vector<2048x128xf32>
    %select_n3A_564 = arith.select %lt3A_563, %sub3A_562, %select_n3A_550 : vector<2048x128xi1>, vector<2048x128xf32>
    %jit3A_565 = arith.constant 5 : i32
    %broadcast_in_dim3A_566 = vector.broadcast %jit3A_565 : i32 to vector<2048x128xi32>
    %select_n3A_567 = arith.select %lt3A_563, %broadcast_in_dim3A_566, %select_n3A_553 : vector<2048x128xi1>, vector<2048x128xi32>
    %slice3A_568 = vector.extract_strided_slice %get3A_11 {offsets = [0, 4864], sizes = [1, 128], strides = [1, 1]} : vector<1x8192xf32> to vector<1x128xf32>
    %add3A_569 = vector.broadcast %get3A_8 : vector<2048x1xf32> to vector<2048x128xf32>
    %add3A_570 = vector.broadcast %slice3A_568 : vector<1x128xf32> to vector<2048x128xf32>
    %add3A_571 = arith.addf %add3A_569, %add3A_570 : vector<2048x128xf32>
    %slice3A_572 = vector.extract_strided_slice %dot_general3A_5 {offsets = [0, 4864], sizes = [2048, 128], strides = [1, 1]} : vector<2048x8192xf32> to vector<2048x128xf32>
    %mul3A_573 = arith.constant 2.000000e+00 : f32
    %mul3A_574 = vector.broadcast %mul3A_573 : f32 to vector<2048x128xf32>
    %mul3A_575 = arith.mulf %mul3A_574, %slice3A_572 : vector<2048x128xf32>
    %sub3A_576 = arith.subf %add3A_571, %mul3A_575 : vector<2048x128xf32>
    %lt3A_577 = arith.cmpf olt, %sub3A_576, %select_n3A_564 : vector<2048x128xf32>
    %select_n3A_578 = arith.select %lt3A_577, %sub3A_576, %select_n3A_564 : vector<2048x128xi1>, vector<2048x128xf32>
    %jit3A_579 = arith.constant 6 : i32
    %broadcast_in_dim3A_580 = vector.broadcast %jit3A_579 : i32 to vector<2048x128xi32>
    %select_n3A_581 = arith.select %lt3A_577, %broadcast_in_dim3A_580, %select_n3A_567 : vector<2048x128xi1>, vector<2048x128xi32>
    %slice3A_582 = vector.extract_strided_slice %get3A_11 {offsets = [0, 4992], sizes = [1, 128], strides = [1, 1]} : vector<1x8192xf32> to vector<1x128xf32>
    %add3A_583 = vector.broadcast %get3A_8 : vector<2048x1xf32> to vector<2048x128xf32>
    %add3A_584 = vector.broadcast %slice3A_582 : vector<1x128xf32> to vector<2048x128xf32>
    %add3A_585 = arith.addf %add3A_583, %add3A_584 : vector<2048x128xf32>
    %slice3A_586 = vector.extract_strided_slice %dot_general3A_5 {offsets = [0, 4992], sizes = [2048, 128], strides = [1, 1]} : vector<2048x8192xf32> to vector<2048x128xf32>
    %mul3A_587 = arith.constant 2.000000e+00 : f32
    %mul3A_588 = vector.broadcast %mul3A_587 : f32 to vector<2048x128xf32>
    %mul3A_589 = arith.mulf %mul3A_588, %slice3A_586 : vector<2048x128xf32>
    %sub3A_590 = arith.subf %add3A_585, %mul3A_589 : vector<2048x128xf32>
    %lt3A_591 = arith.cmpf olt, %sub3A_590, %select_n3A_578 : vector<2048x128xf32>
    %select_n3A_592 = arith.select %lt3A_591, %sub3A_590, %select_n3A_578 : vector<2048x128xi1>, vector<2048x128xf32>
    %jit3A_593 = arith.constant 7 : i32
    %broadcast_in_dim3A_594 = vector.broadcast %jit3A_593 : i32 to vector<2048x128xi32>
    %select_n3A_595 = arith.select %lt3A_591, %broadcast_in_dim3A_594, %select_n3A_581 : vector<2048x128xi1>, vector<2048x128xi32>
    %slice3A_596 = vector.extract_strided_slice %get3A_11 {offsets = [0, 5120], sizes = [1, 128], strides = [1, 1]} : vector<1x8192xf32> to vector<1x128xf32>
    %add3A_597 = vector.broadcast %get3A_8 : vector<2048x1xf32> to vector<2048x128xf32>
    %add3A_598 = vector.broadcast %slice3A_596 : vector<1x128xf32> to vector<2048x128xf32>
    %add3A_599 = arith.addf %add3A_597, %add3A_598 : vector<2048x128xf32>
    %slice3A_600 = vector.extract_strided_slice %dot_general3A_5 {offsets = [0, 5120], sizes = [2048, 128], strides = [1, 1]} : vector<2048x8192xf32> to vector<2048x128xf32>
    %mul3A_601 = arith.constant 2.000000e+00 : f32
    %mul3A_602 = vector.broadcast %mul3A_601 : f32 to vector<2048x128xf32>
    %mul3A_603 = arith.mulf %mul3A_602, %slice3A_600 : vector<2048x128xf32>
    %sub3A_604 = arith.subf %add3A_599, %mul3A_603 : vector<2048x128xf32>
    %lt3A_605 = arith.cmpf olt, %sub3A_604, %select_n3A_592 : vector<2048x128xf32>
    %select_n3A_606 = arith.select %lt3A_605, %sub3A_604, %select_n3A_592 : vector<2048x128xi1>, vector<2048x128xf32>
    %jit3A_607 = arith.constant 8 : i32
    %broadcast_in_dim3A_608 = vector.broadcast %jit3A_607 : i32 to vector<2048x128xi32>
    %select_n3A_609 = arith.select %lt3A_605, %broadcast_in_dim3A_608, %select_n3A_595 : vector<2048x128xi1>, vector<2048x128xi32>
    %slice3A_610 = vector.extract_strided_slice %get3A_11 {offsets = [0, 5248], sizes = [1, 128], strides = [1, 1]} : vector<1x8192xf32> to vector<1x128xf32>
    %add3A_611 = vector.broadcast %get3A_8 : vector<2048x1xf32> to vector<2048x128xf32>
    %add3A_612 = vector.broadcast %slice3A_610 : vector<1x128xf32> to vector<2048x128xf32>
    %add3A_613 = arith.addf %add3A_611, %add3A_612 : vector<2048x128xf32>
    %slice3A_614 = vector.extract_strided_slice %dot_general3A_5 {offsets = [0, 5248], sizes = [2048, 128], strides = [1, 1]} : vector<2048x8192xf32> to vector<2048x128xf32>
    %mul3A_615 = arith.constant 2.000000e+00 : f32
    %mul3A_616 = vector.broadcast %mul3A_615 : f32 to vector<2048x128xf32>
    %mul3A_617 = arith.mulf %mul3A_616, %slice3A_614 : vector<2048x128xf32>
    %sub3A_618 = arith.subf %add3A_613, %mul3A_617 : vector<2048x128xf32>
    %lt3A_619 = arith.cmpf olt, %sub3A_618, %select_n3A_606 : vector<2048x128xf32>
    %select_n3A_620 = arith.select %lt3A_619, %sub3A_618, %select_n3A_606 : vector<2048x128xi1>, vector<2048x128xf32>
    %jit3A_621 = arith.constant 9 : i32
    %broadcast_in_dim3A_622 = vector.broadcast %jit3A_621 : i32 to vector<2048x128xi32>
    %select_n3A_623 = arith.select %lt3A_619, %broadcast_in_dim3A_622, %select_n3A_609 : vector<2048x128xi1>, vector<2048x128xi32>
    %slice3A_624 = vector.extract_strided_slice %get3A_11 {offsets = [0, 5376], sizes = [1, 128], strides = [1, 1]} : vector<1x8192xf32> to vector<1x128xf32>
    %add3A_625 = vector.broadcast %get3A_8 : vector<2048x1xf32> to vector<2048x128xf32>
    %add3A_626 = vector.broadcast %slice3A_624 : vector<1x128xf32> to vector<2048x128xf32>
    %add3A_627 = arith.addf %add3A_625, %add3A_626 : vector<2048x128xf32>
    %slice3A_628 = vector.extract_strided_slice %dot_general3A_5 {offsets = [0, 5376], sizes = [2048, 128], strides = [1, 1]} : vector<2048x8192xf32> to vector<2048x128xf32>
    %mul3A_629 = arith.constant 2.000000e+00 : f32
    %mul3A_630 = vector.broadcast %mul3A_629 : f32 to vector<2048x128xf32>
    %mul3A_631 = arith.mulf %mul3A_630, %slice3A_628 : vector<2048x128xf32>
    %sub3A_632 = arith.subf %add3A_627, %mul3A_631 : vector<2048x128xf32>
    %lt3A_633 = arith.cmpf olt, %sub3A_632, %select_n3A_620 : vector<2048x128xf32>
    %select_n3A_634 = arith.select %lt3A_633, %sub3A_632, %select_n3A_620 : vector<2048x128xi1>, vector<2048x128xf32>
    %jit3A_635 = arith.constant 10 : i32
    %broadcast_in_dim3A_636 = vector.broadcast %jit3A_635 : i32 to vector<2048x128xi32>
    %select_n3A_637 = arith.select %lt3A_633, %broadcast_in_dim3A_636, %select_n3A_623 : vector<2048x128xi1>, vector<2048x128xi32>
    %slice3A_638 = vector.extract_strided_slice %get3A_11 {offsets = [0, 5504], sizes = [1, 128], strides = [1, 1]} : vector<1x8192xf32> to vector<1x128xf32>
    %add3A_639 = vector.broadcast %get3A_8 : vector<2048x1xf32> to vector<2048x128xf32>
    %add3A_640 = vector.broadcast %slice3A_638 : vector<1x128xf32> to vector<2048x128xf32>
    %add3A_641 = arith.addf %add3A_639, %add3A_640 : vector<2048x128xf32>
    %slice3A_642 = vector.extract_strided_slice %dot_general3A_5 {offsets = [0, 5504], sizes = [2048, 128], strides = [1, 1]} : vector<2048x8192xf32> to vector<2048x128xf32>
    %mul3A_643 = arith.constant 2.000000e+00 : f32
    %mul3A_644 = vector.broadcast %mul3A_643 : f32 to vector<2048x128xf32>
    %mul3A_645 = arith.mulf %mul3A_644, %slice3A_642 : vector<2048x128xf32>
    %sub3A_646 = arith.subf %add3A_641, %mul3A_645 : vector<2048x128xf32>
    %lt3A_647 = arith.cmpf olt, %sub3A_646, %select_n3A_634 : vector<2048x128xf32>
    %select_n3A_648 = arith.select %lt3A_647, %sub3A_646, %select_n3A_634 : vector<2048x128xi1>, vector<2048x128xf32>
    %jit3A_649 = arith.constant 11 : i32
    %broadcast_in_dim3A_650 = vector.broadcast %jit3A_649 : i32 to vector<2048x128xi32>
    %select_n3A_651 = arith.select %lt3A_647, %broadcast_in_dim3A_650, %select_n3A_637 : vector<2048x128xi1>, vector<2048x128xi32>
    %slice3A_652 = vector.extract_strided_slice %get3A_11 {offsets = [0, 5632], sizes = [1, 128], strides = [1, 1]} : vector<1x8192xf32> to vector<1x128xf32>
    %add3A_653 = vector.broadcast %get3A_8 : vector<2048x1xf32> to vector<2048x128xf32>
    %add3A_654 = vector.broadcast %slice3A_652 : vector<1x128xf32> to vector<2048x128xf32>
    %add3A_655 = arith.addf %add3A_653, %add3A_654 : vector<2048x128xf32>
    %slice3A_656 = vector.extract_strided_slice %dot_general3A_5 {offsets = [0, 5632], sizes = [2048, 128], strides = [1, 1]} : vector<2048x8192xf32> to vector<2048x128xf32>
    %mul3A_657 = arith.constant 2.000000e+00 : f32
    %mul3A_658 = vector.broadcast %mul3A_657 : f32 to vector<2048x128xf32>
    %mul3A_659 = arith.mulf %mul3A_658, %slice3A_656 : vector<2048x128xf32>
    %sub3A_660 = arith.subf %add3A_655, %mul3A_659 : vector<2048x128xf32>
    %lt3A_661 = arith.cmpf olt, %sub3A_660, %select_n3A_648 : vector<2048x128xf32>
    %select_n3A_662 = arith.select %lt3A_661, %sub3A_660, %select_n3A_648 : vector<2048x128xi1>, vector<2048x128xf32>
    %jit3A_663 = arith.constant 12 : i32
    %broadcast_in_dim3A_664 = vector.broadcast %jit3A_663 : i32 to vector<2048x128xi32>
    %select_n3A_665 = arith.select %lt3A_661, %broadcast_in_dim3A_664, %select_n3A_651 : vector<2048x128xi1>, vector<2048x128xi32>
    %slice3A_666 = vector.extract_strided_slice %get3A_11 {offsets = [0, 5760], sizes = [1, 128], strides = [1, 1]} : vector<1x8192xf32> to vector<1x128xf32>
    %add3A_667 = vector.broadcast %get3A_8 : vector<2048x1xf32> to vector<2048x128xf32>
    %add3A_668 = vector.broadcast %slice3A_666 : vector<1x128xf32> to vector<2048x128xf32>
    %add3A_669 = arith.addf %add3A_667, %add3A_668 : vector<2048x128xf32>
    %slice3A_670 = vector.extract_strided_slice %dot_general3A_5 {offsets = [0, 5760], sizes = [2048, 128], strides = [1, 1]} : vector<2048x8192xf32> to vector<2048x128xf32>
    %mul3A_671 = arith.constant 2.000000e+00 : f32
    %mul3A_672 = vector.broadcast %mul3A_671 : f32 to vector<2048x128xf32>
    %mul3A_673 = arith.mulf %mul3A_672, %slice3A_670 : vector<2048x128xf32>
    %sub3A_674 = arith.subf %add3A_669, %mul3A_673 : vector<2048x128xf32>
    %lt3A_675 = arith.cmpf olt, %sub3A_674, %select_n3A_662 : vector<2048x128xf32>
    %select_n3A_676 = arith.select %lt3A_675, %sub3A_674, %select_n3A_662 : vector<2048x128xi1>, vector<2048x128xf32>
    %jit3A_677 = arith.constant 13 : i32
    %broadcast_in_dim3A_678 = vector.broadcast %jit3A_677 : i32 to vector<2048x128xi32>
    %select_n3A_679 = arith.select %lt3A_675, %broadcast_in_dim3A_678, %select_n3A_665 : vector<2048x128xi1>, vector<2048x128xi32>
    %slice3A_680 = vector.extract_strided_slice %get3A_11 {offsets = [0, 5888], sizes = [1, 128], strides = [1, 1]} : vector<1x8192xf32> to vector<1x128xf32>
    %add3A_681 = vector.broadcast %get3A_8 : vector<2048x1xf32> to vector<2048x128xf32>
    %add3A_682 = vector.broadcast %slice3A_680 : vector<1x128xf32> to vector<2048x128xf32>
    %add3A_683 = arith.addf %add3A_681, %add3A_682 : vector<2048x128xf32>
    %slice3A_684 = vector.extract_strided_slice %dot_general3A_5 {offsets = [0, 5888], sizes = [2048, 128], strides = [1, 1]} : vector<2048x8192xf32> to vector<2048x128xf32>
    %mul3A_685 = arith.constant 2.000000e+00 : f32
    %mul3A_686 = vector.broadcast %mul3A_685 : f32 to vector<2048x128xf32>
    %mul3A_687 = arith.mulf %mul3A_686, %slice3A_684 : vector<2048x128xf32>
    %sub3A_688 = arith.subf %add3A_683, %mul3A_687 : vector<2048x128xf32>
    %lt3A_689 = arith.cmpf olt, %sub3A_688, %select_n3A_676 : vector<2048x128xf32>
    %select_n3A_690 = arith.select %lt3A_689, %sub3A_688, %select_n3A_676 : vector<2048x128xi1>, vector<2048x128xf32>
    %jit3A_691 = arith.constant 14 : i32
    %broadcast_in_dim3A_692 = vector.broadcast %jit3A_691 : i32 to vector<2048x128xi32>
    %select_n3A_693 = arith.select %lt3A_689, %broadcast_in_dim3A_692, %select_n3A_679 : vector<2048x128xi1>, vector<2048x128xi32>
    %slice3A_694 = vector.extract_strided_slice %get3A_11 {offsets = [0, 6016], sizes = [1, 128], strides = [1, 1]} : vector<1x8192xf32> to vector<1x128xf32>
    %add3A_695 = vector.broadcast %get3A_8 : vector<2048x1xf32> to vector<2048x128xf32>
    %add3A_696 = vector.broadcast %slice3A_694 : vector<1x128xf32> to vector<2048x128xf32>
    %add3A_697 = arith.addf %add3A_695, %add3A_696 : vector<2048x128xf32>
    %slice3A_698 = vector.extract_strided_slice %dot_general3A_5 {offsets = [0, 6016], sizes = [2048, 128], strides = [1, 1]} : vector<2048x8192xf32> to vector<2048x128xf32>
    %mul3A_699 = arith.constant 2.000000e+00 : f32
    %mul3A_700 = vector.broadcast %mul3A_699 : f32 to vector<2048x128xf32>
    %mul3A_701 = arith.mulf %mul3A_700, %slice3A_698 : vector<2048x128xf32>
    %sub3A_702 = arith.subf %add3A_697, %mul3A_701 : vector<2048x128xf32>
    %lt3A_703 = arith.cmpf olt, %sub3A_702, %select_n3A_690 : vector<2048x128xf32>
    %select_n3A_704 = arith.select %lt3A_703, %sub3A_702, %select_n3A_690 : vector<2048x128xi1>, vector<2048x128xf32>
    %jit3A_705 = arith.constant 15 : i32
    %broadcast_in_dim3A_706 = vector.broadcast %jit3A_705 : i32 to vector<2048x128xi32>
    %select_n3A_707 = arith.select %lt3A_703, %broadcast_in_dim3A_706, %select_n3A_693 : vector<2048x128xi1>, vector<2048x128xi32>
    %mul3A_708 = arith.constant 128 : i32
    %mul3A_709 = vector.broadcast %mul3A_708 : i32 to vector<2048x128xi32>
    %mul3A_710 = arith.muli %select_n3A_707, %mul3A_709 : vector<2048x128xi32>
    %add3A_711 = arith.addi %mul3A_710, %iota3A : vector<2048x128xi32>
    %reduce_min3A_712 = arith.constant dense<0x7F800000> : vector<2048xf32>
    %reduce_min3A_713 = vector.multi_reduction <minimumf>, %select_n3A_704, %reduce_min3A_712 [1] : vector<2048x128xf32> to vector<2048xf32>
    %broadcast_in_dim3A_714 = vector.shape_cast %reduce_min3A_713 : vector<2048xf32> to vector<2048x1xf32>
    %eq3A_715 = vector.broadcast %broadcast_in_dim3A_714 : vector<2048x1xf32> to vector<2048x128xf32>
    %eq3A_716 = arith.cmpf oeq, %select_n3A_704, %eq3A_715 : vector<2048x128xf32>
    %jit3A_717 = arith.constant 8192 : i32
    %broadcast_in_dim3A_718 = vector.broadcast %jit3A_717 : i32 to vector<2048x128xi32>
    %select_n3A_719 = arith.select %eq3A_716, %add3A_711, %broadcast_in_dim3A_718 : vector<2048x128xi1>, vector<2048x128xi32>
    %reduce_min3A_720 = arith.constant dense<2147483647> : vector<2048xi32>
    %reduce_min3A_721 = vector.multi_reduction <minsi>, %select_n3A_719, %reduce_min3A_720 [1] : vector<2048x128xi32> to vector<2048xi32>
    %broadcast_in_dim3A_722 = vector.shape_cast %reduce_min3A_721 : vector<2048xi32> to vector<2048x1xi32>
    %add3A_723 = arith.constant 4096 : i32
    %add3A_724 = vector.broadcast %add3A_723 : i32 to vector<2048x1xi32>
    %add3A_725 = arith.addi %broadcast_in_dim3A_722, %add3A_724 : vector<2048x1xi32>
    %lt3A_726 = arith.cmpf olt, %broadcast_in_dim3A_714, %select_n3A_484 : vector<2048x1xf32>
    %convert_element_type3A_727 = arith.truncf %broadcast_in_dim3A_714 : vector<2048x1xf32> to vector<2048x1xbf16>
    %convert_element_type3A_728 = arith.extf %convert_element_type3A_727 : vector<2048x1xbf16> to vector<2048x1xf32>
    %select_n3A_729 = arith.select %lt3A_726, %convert_element_type3A_728, %select_n3A_484 : vector<2048x1xi1>, vector<2048x1xf32>
    %select_n3A_730 = arith.select %lt3A_726, %broadcast_in_dim3A_714, %select_n3A_485 : vector<2048x1xi1>, vector<2048x1xf32>
    %select_n3A_731 = arith.select %lt3A_726, %add3A_725, %select_n3A_486 : vector<2048x1xi1>, vector<2048x1xi32>
    %slice3A_732 = vector.extract_strided_slice %get3A_11 {offsets = [0, 6144], sizes = [1, 128], strides = [1, 1]} : vector<1x8192xf32> to vector<1x128xf32>
    %add3A_733 = vector.broadcast %get3A_8 : vector<2048x1xf32> to vector<2048x128xf32>
    %add3A_734 = vector.broadcast %slice3A_732 : vector<1x128xf32> to vector<2048x128xf32>
    %add3A_735 = arith.addf %add3A_733, %add3A_734 : vector<2048x128xf32>
    %slice3A_736 = vector.extract_strided_slice %dot_general3A_5 {offsets = [0, 6144], sizes = [2048, 128], strides = [1, 1]} : vector<2048x8192xf32> to vector<2048x128xf32>
    %mul3A_737 = arith.constant 2.000000e+00 : f32
    %mul3A_738 = vector.broadcast %mul3A_737 : f32 to vector<2048x128xf32>
    %mul3A_739 = arith.mulf %mul3A_738, %slice3A_736 : vector<2048x128xf32>
    %sub3A_740 = arith.subf %add3A_735, %mul3A_739 : vector<2048x128xf32>
    %broadcast_in_dim3A_741 = arith.constant 0 : i32
    %broadcast_in_dim3A_742 = vector.broadcast %broadcast_in_dim3A_741 : i32 to vector<2048x128xi32>
    %slice3A_743 = vector.extract_strided_slice %get3A_11 {offsets = [0, 6272], sizes = [1, 128], strides = [1, 1]} : vector<1x8192xf32> to vector<1x128xf32>
    %add3A_744 = vector.broadcast %get3A_8 : vector<2048x1xf32> to vector<2048x128xf32>
    %add3A_745 = vector.broadcast %slice3A_743 : vector<1x128xf32> to vector<2048x128xf32>
    %add3A_746 = arith.addf %add3A_744, %add3A_745 : vector<2048x128xf32>
    %slice3A_747 = vector.extract_strided_slice %dot_general3A_5 {offsets = [0, 6272], sizes = [2048, 128], strides = [1, 1]} : vector<2048x8192xf32> to vector<2048x128xf32>
    %mul3A_748 = arith.constant 2.000000e+00 : f32
    %mul3A_749 = vector.broadcast %mul3A_748 : f32 to vector<2048x128xf32>
    %mul3A_750 = arith.mulf %mul3A_749, %slice3A_747 : vector<2048x128xf32>
    %sub3A_751 = arith.subf %add3A_746, %mul3A_750 : vector<2048x128xf32>
    %lt3A_752 = arith.cmpf olt, %sub3A_751, %sub3A_740 : vector<2048x128xf32>
    %select_n3A_753 = arith.select %lt3A_752, %sub3A_751, %sub3A_740 : vector<2048x128xi1>, vector<2048x128xf32>
    %jit3A_754 = arith.constant 1 : i32
    %broadcast_in_dim3A_755 = vector.broadcast %jit3A_754 : i32 to vector<2048x128xi32>
    %select_n3A_756 = arith.select %lt3A_752, %broadcast_in_dim3A_755, %broadcast_in_dim3A_742 : vector<2048x128xi1>, vector<2048x128xi32>
    %slice3A_757 = vector.extract_strided_slice %get3A_11 {offsets = [0, 6400], sizes = [1, 128], strides = [1, 1]} : vector<1x8192xf32> to vector<1x128xf32>
    %add3A_758 = vector.broadcast %get3A_8 : vector<2048x1xf32> to vector<2048x128xf32>
    %add3A_759 = vector.broadcast %slice3A_757 : vector<1x128xf32> to vector<2048x128xf32>
    %add3A_760 = arith.addf %add3A_758, %add3A_759 : vector<2048x128xf32>
    %slice3A_761 = vector.extract_strided_slice %dot_general3A_5 {offsets = [0, 6400], sizes = [2048, 128], strides = [1, 1]} : vector<2048x8192xf32> to vector<2048x128xf32>
    %mul3A_762 = arith.constant 2.000000e+00 : f32
    %mul3A_763 = vector.broadcast %mul3A_762 : f32 to vector<2048x128xf32>
    %mul3A_764 = arith.mulf %mul3A_763, %slice3A_761 : vector<2048x128xf32>
    %sub3A_765 = arith.subf %add3A_760, %mul3A_764 : vector<2048x128xf32>
    %lt3A_766 = arith.cmpf olt, %sub3A_765, %select_n3A_753 : vector<2048x128xf32>
    %select_n3A_767 = arith.select %lt3A_766, %sub3A_765, %select_n3A_753 : vector<2048x128xi1>, vector<2048x128xf32>
    %jit3A_768 = arith.constant 2 : i32
    %broadcast_in_dim3A_769 = vector.broadcast %jit3A_768 : i32 to vector<2048x128xi32>
    %select_n3A_770 = arith.select %lt3A_766, %broadcast_in_dim3A_769, %select_n3A_756 : vector<2048x128xi1>, vector<2048x128xi32>
    %slice3A_771 = vector.extract_strided_slice %get3A_11 {offsets = [0, 6528], sizes = [1, 128], strides = [1, 1]} : vector<1x8192xf32> to vector<1x128xf32>
    %add3A_772 = vector.broadcast %get3A_8 : vector<2048x1xf32> to vector<2048x128xf32>
    %add3A_773 = vector.broadcast %slice3A_771 : vector<1x128xf32> to vector<2048x128xf32>
    %add3A_774 = arith.addf %add3A_772, %add3A_773 : vector<2048x128xf32>
    %slice3A_775 = vector.extract_strided_slice %dot_general3A_5 {offsets = [0, 6528], sizes = [2048, 128], strides = [1, 1]} : vector<2048x8192xf32> to vector<2048x128xf32>
    %mul3A_776 = arith.constant 2.000000e+00 : f32
    %mul3A_777 = vector.broadcast %mul3A_776 : f32 to vector<2048x128xf32>
    %mul3A_778 = arith.mulf %mul3A_777, %slice3A_775 : vector<2048x128xf32>
    %sub3A_779 = arith.subf %add3A_774, %mul3A_778 : vector<2048x128xf32>
    %lt3A_780 = arith.cmpf olt, %sub3A_779, %select_n3A_767 : vector<2048x128xf32>
    %select_n3A_781 = arith.select %lt3A_780, %sub3A_779, %select_n3A_767 : vector<2048x128xi1>, vector<2048x128xf32>
    %jit3A_782 = arith.constant 3 : i32
    %broadcast_in_dim3A_783 = vector.broadcast %jit3A_782 : i32 to vector<2048x128xi32>
    %select_n3A_784 = arith.select %lt3A_780, %broadcast_in_dim3A_783, %select_n3A_770 : vector<2048x128xi1>, vector<2048x128xi32>
    %slice3A_785 = vector.extract_strided_slice %get3A_11 {offsets = [0, 6656], sizes = [1, 128], strides = [1, 1]} : vector<1x8192xf32> to vector<1x128xf32>
    %add3A_786 = vector.broadcast %get3A_8 : vector<2048x1xf32> to vector<2048x128xf32>
    %add3A_787 = vector.broadcast %slice3A_785 : vector<1x128xf32> to vector<2048x128xf32>
    %add3A_788 = arith.addf %add3A_786, %add3A_787 : vector<2048x128xf32>
    %slice3A_789 = vector.extract_strided_slice %dot_general3A_5 {offsets = [0, 6656], sizes = [2048, 128], strides = [1, 1]} : vector<2048x8192xf32> to vector<2048x128xf32>
    %mul3A_790 = arith.constant 2.000000e+00 : f32
    %mul3A_791 = vector.broadcast %mul3A_790 : f32 to vector<2048x128xf32>
    %mul3A_792 = arith.mulf %mul3A_791, %slice3A_789 : vector<2048x128xf32>
    %sub3A_793 = arith.subf %add3A_788, %mul3A_792 : vector<2048x128xf32>
    %lt3A_794 = arith.cmpf olt, %sub3A_793, %select_n3A_781 : vector<2048x128xf32>
    %select_n3A_795 = arith.select %lt3A_794, %sub3A_793, %select_n3A_781 : vector<2048x128xi1>, vector<2048x128xf32>
    %jit3A_796 = arith.constant 4 : i32
    %broadcast_in_dim3A_797 = vector.broadcast %jit3A_796 : i32 to vector<2048x128xi32>
    %select_n3A_798 = arith.select %lt3A_794, %broadcast_in_dim3A_797, %select_n3A_784 : vector<2048x128xi1>, vector<2048x128xi32>
    %slice3A_799 = vector.extract_strided_slice %get3A_11 {offsets = [0, 6784], sizes = [1, 128], strides = [1, 1]} : vector<1x8192xf32> to vector<1x128xf32>
    %add3A_800 = vector.broadcast %get3A_8 : vector<2048x1xf32> to vector<2048x128xf32>
    %add3A_801 = vector.broadcast %slice3A_799 : vector<1x128xf32> to vector<2048x128xf32>
    %add3A_802 = arith.addf %add3A_800, %add3A_801 : vector<2048x128xf32>
    %slice3A_803 = vector.extract_strided_slice %dot_general3A_5 {offsets = [0, 6784], sizes = [2048, 128], strides = [1, 1]} : vector<2048x8192xf32> to vector<2048x128xf32>
    %mul3A_804 = arith.constant 2.000000e+00 : f32
    %mul3A_805 = vector.broadcast %mul3A_804 : f32 to vector<2048x128xf32>
    %mul3A_806 = arith.mulf %mul3A_805, %slice3A_803 : vector<2048x128xf32>
    %sub3A_807 = arith.subf %add3A_802, %mul3A_806 : vector<2048x128xf32>
    %lt3A_808 = arith.cmpf olt, %sub3A_807, %select_n3A_795 : vector<2048x128xf32>
    %select_n3A_809 = arith.select %lt3A_808, %sub3A_807, %select_n3A_795 : vector<2048x128xi1>, vector<2048x128xf32>
    %jit3A_810 = arith.constant 5 : i32
    %broadcast_in_dim3A_811 = vector.broadcast %jit3A_810 : i32 to vector<2048x128xi32>
    %select_n3A_812 = arith.select %lt3A_808, %broadcast_in_dim3A_811, %select_n3A_798 : vector<2048x128xi1>, vector<2048x128xi32>
    %slice3A_813 = vector.extract_strided_slice %get3A_11 {offsets = [0, 6912], sizes = [1, 128], strides = [1, 1]} : vector<1x8192xf32> to vector<1x128xf32>
    %add3A_814 = vector.broadcast %get3A_8 : vector<2048x1xf32> to vector<2048x128xf32>
    %add3A_815 = vector.broadcast %slice3A_813 : vector<1x128xf32> to vector<2048x128xf32>
    %add3A_816 = arith.addf %add3A_814, %add3A_815 : vector<2048x128xf32>
    %slice3A_817 = vector.extract_strided_slice %dot_general3A_5 {offsets = [0, 6912], sizes = [2048, 128], strides = [1, 1]} : vector<2048x8192xf32> to vector<2048x128xf32>
    %mul3A_818 = arith.constant 2.000000e+00 : f32
    %mul3A_819 = vector.broadcast %mul3A_818 : f32 to vector<2048x128xf32>
    %mul3A_820 = arith.mulf %mul3A_819, %slice3A_817 : vector<2048x128xf32>
    %sub3A_821 = arith.subf %add3A_816, %mul3A_820 : vector<2048x128xf32>
    %lt3A_822 = arith.cmpf olt, %sub3A_821, %select_n3A_809 : vector<2048x128xf32>
    %select_n3A_823 = arith.select %lt3A_822, %sub3A_821, %select_n3A_809 : vector<2048x128xi1>, vector<2048x128xf32>
    %jit3A_824 = arith.constant 6 : i32
    %broadcast_in_dim3A_825 = vector.broadcast %jit3A_824 : i32 to vector<2048x128xi32>
    %select_n3A_826 = arith.select %lt3A_822, %broadcast_in_dim3A_825, %select_n3A_812 : vector<2048x128xi1>, vector<2048x128xi32>
    %slice3A_827 = vector.extract_strided_slice %get3A_11 {offsets = [0, 7040], sizes = [1, 128], strides = [1, 1]} : vector<1x8192xf32> to vector<1x128xf32>
    %add3A_828 = vector.broadcast %get3A_8 : vector<2048x1xf32> to vector<2048x128xf32>
    %add3A_829 = vector.broadcast %slice3A_827 : vector<1x128xf32> to vector<2048x128xf32>
    %add3A_830 = arith.addf %add3A_828, %add3A_829 : vector<2048x128xf32>
    %slice3A_831 = vector.extract_strided_slice %dot_general3A_5 {offsets = [0, 7040], sizes = [2048, 128], strides = [1, 1]} : vector<2048x8192xf32> to vector<2048x128xf32>
    %mul3A_832 = arith.constant 2.000000e+00 : f32
    %mul3A_833 = vector.broadcast %mul3A_832 : f32 to vector<2048x128xf32>
    %mul3A_834 = arith.mulf %mul3A_833, %slice3A_831 : vector<2048x128xf32>
    %sub3A_835 = arith.subf %add3A_830, %mul3A_834 : vector<2048x128xf32>
    %lt3A_836 = arith.cmpf olt, %sub3A_835, %select_n3A_823 : vector<2048x128xf32>
    %select_n3A_837 = arith.select %lt3A_836, %sub3A_835, %select_n3A_823 : vector<2048x128xi1>, vector<2048x128xf32>
    %jit3A_838 = arith.constant 7 : i32
    %broadcast_in_dim3A_839 = vector.broadcast %jit3A_838 : i32 to vector<2048x128xi32>
    %select_n3A_840 = arith.select %lt3A_836, %broadcast_in_dim3A_839, %select_n3A_826 : vector<2048x128xi1>, vector<2048x128xi32>
    %slice3A_841 = vector.extract_strided_slice %get3A_11 {offsets = [0, 7168], sizes = [1, 128], strides = [1, 1]} : vector<1x8192xf32> to vector<1x128xf32>
    %add3A_842 = vector.broadcast %get3A_8 : vector<2048x1xf32> to vector<2048x128xf32>
    %add3A_843 = vector.broadcast %slice3A_841 : vector<1x128xf32> to vector<2048x128xf32>
    %add3A_844 = arith.addf %add3A_842, %add3A_843 : vector<2048x128xf32>
    %slice3A_845 = vector.extract_strided_slice %dot_general3A_5 {offsets = [0, 7168], sizes = [2048, 128], strides = [1, 1]} : vector<2048x8192xf32> to vector<2048x128xf32>
    %mul3A_846 = arith.constant 2.000000e+00 : f32
    %mul3A_847 = vector.broadcast %mul3A_846 : f32 to vector<2048x128xf32>
    %mul3A_848 = arith.mulf %mul3A_847, %slice3A_845 : vector<2048x128xf32>
    %sub3A_849 = arith.subf %add3A_844, %mul3A_848 : vector<2048x128xf32>
    %lt3A_850 = arith.cmpf olt, %sub3A_849, %select_n3A_837 : vector<2048x128xf32>
    %select_n3A_851 = arith.select %lt3A_850, %sub3A_849, %select_n3A_837 : vector<2048x128xi1>, vector<2048x128xf32>
    %jit3A_852 = arith.constant 8 : i32
    %broadcast_in_dim3A_853 = vector.broadcast %jit3A_852 : i32 to vector<2048x128xi32>
    %select_n3A_854 = arith.select %lt3A_850, %broadcast_in_dim3A_853, %select_n3A_840 : vector<2048x128xi1>, vector<2048x128xi32>
    %slice3A_855 = vector.extract_strided_slice %get3A_11 {offsets = [0, 7296], sizes = [1, 128], strides = [1, 1]} : vector<1x8192xf32> to vector<1x128xf32>
    %add3A_856 = vector.broadcast %get3A_8 : vector<2048x1xf32> to vector<2048x128xf32>
    %add3A_857 = vector.broadcast %slice3A_855 : vector<1x128xf32> to vector<2048x128xf32>
    %add3A_858 = arith.addf %add3A_856, %add3A_857 : vector<2048x128xf32>
    %slice3A_859 = vector.extract_strided_slice %dot_general3A_5 {offsets = [0, 7296], sizes = [2048, 128], strides = [1, 1]} : vector<2048x8192xf32> to vector<2048x128xf32>
    %mul3A_860 = arith.constant 2.000000e+00 : f32
    %mul3A_861 = vector.broadcast %mul3A_860 : f32 to vector<2048x128xf32>
    %mul3A_862 = arith.mulf %mul3A_861, %slice3A_859 : vector<2048x128xf32>
    %sub3A_863 = arith.subf %add3A_858, %mul3A_862 : vector<2048x128xf32>
    %lt3A_864 = arith.cmpf olt, %sub3A_863, %select_n3A_851 : vector<2048x128xf32>
    %select_n3A_865 = arith.select %lt3A_864, %sub3A_863, %select_n3A_851 : vector<2048x128xi1>, vector<2048x128xf32>
    %jit3A_866 = arith.constant 9 : i32
    %broadcast_in_dim3A_867 = vector.broadcast %jit3A_866 : i32 to vector<2048x128xi32>
    %select_n3A_868 = arith.select %lt3A_864, %broadcast_in_dim3A_867, %select_n3A_854 : vector<2048x128xi1>, vector<2048x128xi32>
    %slice3A_869 = vector.extract_strided_slice %get3A_11 {offsets = [0, 7424], sizes = [1, 128], strides = [1, 1]} : vector<1x8192xf32> to vector<1x128xf32>
    %add3A_870 = vector.broadcast %get3A_8 : vector<2048x1xf32> to vector<2048x128xf32>
    %add3A_871 = vector.broadcast %slice3A_869 : vector<1x128xf32> to vector<2048x128xf32>
    %add3A_872 = arith.addf %add3A_870, %add3A_871 : vector<2048x128xf32>
    %slice3A_873 = vector.extract_strided_slice %dot_general3A_5 {offsets = [0, 7424], sizes = [2048, 128], strides = [1, 1]} : vector<2048x8192xf32> to vector<2048x128xf32>
    %mul3A_874 = arith.constant 2.000000e+00 : f32
    %mul3A_875 = vector.broadcast %mul3A_874 : f32 to vector<2048x128xf32>
    %mul3A_876 = arith.mulf %mul3A_875, %slice3A_873 : vector<2048x128xf32>
    %sub3A_877 = arith.subf %add3A_872, %mul3A_876 : vector<2048x128xf32>
    %lt3A_878 = arith.cmpf olt, %sub3A_877, %select_n3A_865 : vector<2048x128xf32>
    %select_n3A_879 = arith.select %lt3A_878, %sub3A_877, %select_n3A_865 : vector<2048x128xi1>, vector<2048x128xf32>
    %jit3A_880 = arith.constant 10 : i32
    %broadcast_in_dim3A_881 = vector.broadcast %jit3A_880 : i32 to vector<2048x128xi32>
    %select_n3A_882 = arith.select %lt3A_878, %broadcast_in_dim3A_881, %select_n3A_868 : vector<2048x128xi1>, vector<2048x128xi32>
    %slice3A_883 = vector.extract_strided_slice %get3A_11 {offsets = [0, 7552], sizes = [1, 128], strides = [1, 1]} : vector<1x8192xf32> to vector<1x128xf32>
    %add3A_884 = vector.broadcast %get3A_8 : vector<2048x1xf32> to vector<2048x128xf32>
    %add3A_885 = vector.broadcast %slice3A_883 : vector<1x128xf32> to vector<2048x128xf32>
    %add3A_886 = arith.addf %add3A_884, %add3A_885 : vector<2048x128xf32>
    %slice3A_887 = vector.extract_strided_slice %dot_general3A_5 {offsets = [0, 7552], sizes = [2048, 128], strides = [1, 1]} : vector<2048x8192xf32> to vector<2048x128xf32>
    %mul3A_888 = arith.constant 2.000000e+00 : f32
    %mul3A_889 = vector.broadcast %mul3A_888 : f32 to vector<2048x128xf32>
    %mul3A_890 = arith.mulf %mul3A_889, %slice3A_887 : vector<2048x128xf32>
    %sub3A_891 = arith.subf %add3A_886, %mul3A_890 : vector<2048x128xf32>
    %lt3A_892 = arith.cmpf olt, %sub3A_891, %select_n3A_879 : vector<2048x128xf32>
    %select_n3A_893 = arith.select %lt3A_892, %sub3A_891, %select_n3A_879 : vector<2048x128xi1>, vector<2048x128xf32>
    %jit3A_894 = arith.constant 11 : i32
    %broadcast_in_dim3A_895 = vector.broadcast %jit3A_894 : i32 to vector<2048x128xi32>
    %select_n3A_896 = arith.select %lt3A_892, %broadcast_in_dim3A_895, %select_n3A_882 : vector<2048x128xi1>, vector<2048x128xi32>
    %slice3A_897 = vector.extract_strided_slice %get3A_11 {offsets = [0, 7680], sizes = [1, 128], strides = [1, 1]} : vector<1x8192xf32> to vector<1x128xf32>
    %add3A_898 = vector.broadcast %get3A_8 : vector<2048x1xf32> to vector<2048x128xf32>
    %add3A_899 = vector.broadcast %slice3A_897 : vector<1x128xf32> to vector<2048x128xf32>
    %add3A_900 = arith.addf %add3A_898, %add3A_899 : vector<2048x128xf32>
    %slice3A_901 = vector.extract_strided_slice %dot_general3A_5 {offsets = [0, 7680], sizes = [2048, 128], strides = [1, 1]} : vector<2048x8192xf32> to vector<2048x128xf32>
    %mul3A_902 = arith.constant 2.000000e+00 : f32
    %mul3A_903 = vector.broadcast %mul3A_902 : f32 to vector<2048x128xf32>
    %mul3A_904 = arith.mulf %mul3A_903, %slice3A_901 : vector<2048x128xf32>
    %sub3A_905 = arith.subf %add3A_900, %mul3A_904 : vector<2048x128xf32>
    %lt3A_906 = arith.cmpf olt, %sub3A_905, %select_n3A_893 : vector<2048x128xf32>
    %select_n3A_907 = arith.select %lt3A_906, %sub3A_905, %select_n3A_893 : vector<2048x128xi1>, vector<2048x128xf32>
    %jit3A_908 = arith.constant 12 : i32
    %broadcast_in_dim3A_909 = vector.broadcast %jit3A_908 : i32 to vector<2048x128xi32>
    %select_n3A_910 = arith.select %lt3A_906, %broadcast_in_dim3A_909, %select_n3A_896 : vector<2048x128xi1>, vector<2048x128xi32>
    %slice3A_911 = vector.extract_strided_slice %get3A_11 {offsets = [0, 7808], sizes = [1, 128], strides = [1, 1]} : vector<1x8192xf32> to vector<1x128xf32>
    %add3A_912 = vector.broadcast %get3A_8 : vector<2048x1xf32> to vector<2048x128xf32>
    %add3A_913 = vector.broadcast %slice3A_911 : vector<1x128xf32> to vector<2048x128xf32>
    %add3A_914 = arith.addf %add3A_912, %add3A_913 : vector<2048x128xf32>
    %slice3A_915 = vector.extract_strided_slice %dot_general3A_5 {offsets = [0, 7808], sizes = [2048, 128], strides = [1, 1]} : vector<2048x8192xf32> to vector<2048x128xf32>
    %mul3A_916 = arith.constant 2.000000e+00 : f32
    %mul3A_917 = vector.broadcast %mul3A_916 : f32 to vector<2048x128xf32>
    %mul3A_918 = arith.mulf %mul3A_917, %slice3A_915 : vector<2048x128xf32>
    %sub3A_919 = arith.subf %add3A_914, %mul3A_918 : vector<2048x128xf32>
    %lt3A_920 = arith.cmpf olt, %sub3A_919, %select_n3A_907 : vector<2048x128xf32>
    %select_n3A_921 = arith.select %lt3A_920, %sub3A_919, %select_n3A_907 : vector<2048x128xi1>, vector<2048x128xf32>
    %jit3A_922 = arith.constant 13 : i32
    %broadcast_in_dim3A_923 = vector.broadcast %jit3A_922 : i32 to vector<2048x128xi32>
    %select_n3A_924 = arith.select %lt3A_920, %broadcast_in_dim3A_923, %select_n3A_910 : vector<2048x128xi1>, vector<2048x128xi32>
    %slice3A_925 = vector.extract_strided_slice %get3A_11 {offsets = [0, 7936], sizes = [1, 128], strides = [1, 1]} : vector<1x8192xf32> to vector<1x128xf32>
    %add3A_926 = vector.broadcast %get3A_8 : vector<2048x1xf32> to vector<2048x128xf32>
    %add3A_927 = vector.broadcast %slice3A_925 : vector<1x128xf32> to vector<2048x128xf32>
    %add3A_928 = arith.addf %add3A_926, %add3A_927 : vector<2048x128xf32>
    %slice3A_929 = vector.extract_strided_slice %dot_general3A_5 {offsets = [0, 7936], sizes = [2048, 128], strides = [1, 1]} : vector<2048x8192xf32> to vector<2048x128xf32>
    %mul3A_930 = arith.constant 2.000000e+00 : f32
    %mul3A_931 = vector.broadcast %mul3A_930 : f32 to vector<2048x128xf32>
    %mul3A_932 = arith.mulf %mul3A_931, %slice3A_929 : vector<2048x128xf32>
    %sub3A_933 = arith.subf %add3A_928, %mul3A_932 : vector<2048x128xf32>
    %lt3A_934 = arith.cmpf olt, %sub3A_933, %select_n3A_921 : vector<2048x128xf32>
    %select_n3A_935 = arith.select %lt3A_934, %sub3A_933, %select_n3A_921 : vector<2048x128xi1>, vector<2048x128xf32>
    %jit3A_936 = arith.constant 14 : i32
    %broadcast_in_dim3A_937 = vector.broadcast %jit3A_936 : i32 to vector<2048x128xi32>
    %select_n3A_938 = arith.select %lt3A_934, %broadcast_in_dim3A_937, %select_n3A_924 : vector<2048x128xi1>, vector<2048x128xi32>
    %slice3A_939 = vector.extract_strided_slice %get3A_11 {offsets = [0, 8064], sizes = [1, 128], strides = [1, 1]} : vector<1x8192xf32> to vector<1x128xf32>
    %add3A_940 = vector.broadcast %get3A_8 : vector<2048x1xf32> to vector<2048x128xf32>
    %add3A_941 = vector.broadcast %slice3A_939 : vector<1x128xf32> to vector<2048x128xf32>
    %add3A_942 = arith.addf %add3A_940, %add3A_941 : vector<2048x128xf32>
    %slice3A_943 = vector.extract_strided_slice %dot_general3A_5 {offsets = [0, 8064], sizes = [2048, 128], strides = [1, 1]} : vector<2048x8192xf32> to vector<2048x128xf32>
    %mul3A_944 = arith.constant 2.000000e+00 : f32
    %mul3A_945 = vector.broadcast %mul3A_944 : f32 to vector<2048x128xf32>
    %mul3A_946 = arith.mulf %mul3A_945, %slice3A_943 : vector<2048x128xf32>
    %sub3A_947 = arith.subf %add3A_942, %mul3A_946 : vector<2048x128xf32>
    %lt3A_948 = arith.cmpf olt, %sub3A_947, %select_n3A_935 : vector<2048x128xf32>
    %select_n3A_949 = arith.select %lt3A_948, %sub3A_947, %select_n3A_935 : vector<2048x128xi1>, vector<2048x128xf32>
    %jit3A_950 = arith.constant 15 : i32
    %broadcast_in_dim3A_951 = vector.broadcast %jit3A_950 : i32 to vector<2048x128xi32>
    %select_n3A_952 = arith.select %lt3A_948, %broadcast_in_dim3A_951, %select_n3A_938 : vector<2048x128xi1>, vector<2048x128xi32>
    %mul3A_953 = arith.constant 128 : i32
    %mul3A_954 = vector.broadcast %mul3A_953 : i32 to vector<2048x128xi32>
    %mul3A_955 = arith.muli %select_n3A_952, %mul3A_954 : vector<2048x128xi32>
    %add3A_956 = arith.addi %mul3A_955, %iota3A : vector<2048x128xi32>
    %reduce_min3A_957 = arith.constant dense<0x7F800000> : vector<2048xf32>
    %reduce_min3A_958 = vector.multi_reduction <minimumf>, %select_n3A_949, %reduce_min3A_957 [1] : vector<2048x128xf32> to vector<2048xf32>
    %broadcast_in_dim3A_959 = vector.shape_cast %reduce_min3A_958 : vector<2048xf32> to vector<2048x1xf32>
    %eq3A_960 = vector.broadcast %broadcast_in_dim3A_959 : vector<2048x1xf32> to vector<2048x128xf32>
    %eq3A_961 = arith.cmpf oeq, %select_n3A_949, %eq3A_960 : vector<2048x128xf32>
    %jit3A_962 = arith.constant 8192 : i32
    %broadcast_in_dim3A_963 = vector.broadcast %jit3A_962 : i32 to vector<2048x128xi32>
    %select_n3A_964 = arith.select %eq3A_961, %add3A_956, %broadcast_in_dim3A_963 : vector<2048x128xi1>, vector<2048x128xi32>
    %reduce_min3A_965 = arith.constant dense<2147483647> : vector<2048xi32>
    %reduce_min3A_966 = vector.multi_reduction <minsi>, %select_n3A_964, %reduce_min3A_965 [1] : vector<2048x128xi32> to vector<2048xi32>
    %broadcast_in_dim3A_967 = vector.shape_cast %reduce_min3A_966 : vector<2048xi32> to vector<2048x1xi32>
    %add3A_968 = arith.constant 6144 : i32
    %add3A_969 = vector.broadcast %add3A_968 : i32 to vector<2048x1xi32>
    %add3A_970 = arith.addi %broadcast_in_dim3A_967, %add3A_969 : vector<2048x1xi32>
    %lt3A_971 = arith.cmpf olt, %broadcast_in_dim3A_959, %select_n3A_729 : vector<2048x1xf32>
    %select_n3A_972 = arith.select %lt3A_971, %broadcast_in_dim3A_959, %select_n3A_730 : vector<2048x1xi1>, vector<2048x1xf32>
    %select_n3A_973 = arith.select %lt3A_971, %add3A_970, %select_n3A_731 : vector<2048x1xi1>, vector<2048x1xi32>
    %swap3A = arith.constant 0 : index
    %swap3A_974 = arith.constant 0 : index
    %swap3A_975 = vector.load %arg5[%swap3A, %swap3A_974] : memref<2048x1xi32, #tpu.memory_space<vmem>>, vector<2048x1xi32>
    tpu.vector_store %arg5[%swap3A, %swap3A_974], %select_n3A_973 {strides = array<i32>} : memref<2048x1xi32, #tpu.memory_space<vmem>>, vector<2048x1xi32>,
    %reduce_sum3A = vector.shape_cast %select_n3A_972 : vector<2048x1xf32> to vector<1x2048x1xf32>
    %reduce_sum3A_976 = arith.constant dense<0.000000e+00> : vector<1xf32>
    %reduce_sum3A_977 = vector.multi_reduction <add>, %reduce_sum3A, %reduce_sum3A_976 [1, 2] : vector<1x2048x1xf32> to vector<1xf32>
    %reduce_sum3A_978 = vector.shape_cast %reduce_sum3A_977 : vector<1xf32> to vector<1x1x1xf32>
    %reduce_sum3A_979 = vector.extract %reduce_sum3A_978[0, 0, 0] : f32 from vector<1x1x1xf32>
    %reshape3A = vector.broadcast %reduce_sum3A_979 : f32 to vector<1x1x1xf32>
    %swap3A_980 = arith.constant 0 : index
    %swap3A_981 = arith.constant 0 : index
    %swap3A_982 = arith.constant 0 : index
    %swap3A_983 = vector.load %arg6[%swap3A_980, %swap3A_981, %swap3A_982] : memref<1x1x1xf32, #tpu.memory_space<vmem>>, vector<1x1x1xf32>
    tpu.vector_store %arg6[%swap3A_980, %swap3A_981, %swap3A_982], %reshape3A {strides = array<i32>} : memref<1x1x1xf32, #tpu.memory_space<vmem>>, vector<1x1x1xf32>,
    return
  }
  func.func @transform_0(%arg0: i32) -> (i32, i32) {
    %c0_i32 = arith.constant 0 : i32
    %c0_i32_0 = arith.constant 0 : i32
    return %arg0, %c0_i32 : i32, i32
  }
  func.func @transform_1(%arg0: i32) -> (i32, i32) {
    %c0_i32 = arith.constant 0 : i32
    %c0_i32_0 = arith.constant 0 : i32
    return %arg0, %c0_i32 : i32, i32
  }
  func.func @transform_2(%arg0: i32) -> (i32, i32) {
    %c0_i32 = arith.constant 0 : i32
    %c0_i32_0 = arith.constant 0 : i32
    %c0_i32_1 = arith.constant 0 : i32
    return %c0_i32, %c0_i32_0 : i32, i32
  }
  func.func @transform_3(%arg0: i32) -> (i32, i32) {
    %c0_i32 = arith.constant 0 : i32
    %c0_i32_0 = arith.constant 0 : i32
    %c0_i32_1 = arith.constant 0 : i32
    return %c0_i32, %c0_i32_0 : i32, i32
  }
  func.func @transform_4(%arg0: i32) -> (i32, i32) {
    %c0_i32 = arith.constant 0 : i32
    %c0_i32_0 = arith.constant 0 : i32
    return %arg0, %c0_i32 : i32, i32
  }
  func.func @transform_5(%arg0: i32) -> (i32, i32, i32) {
    %c0_i32 = arith.constant 0 : i32
    %c0_i32_0 = arith.constant 0 : i32
    %c0_i32_1 = arith.constant 0 : i32
    return %arg0, %c0_i32, %c0_i32_0 : i32, i32, i32
  }
}

</mosaic_0001>

<sc_bundles>
// kernel: kernel.4.cloned.1.call-start
scs
__scs_entry_jumppad:
0x0: {  	(pc) =	sbr.rel $0x88, $3  }
0x1: {  	(tag) =	ssettag $0x0;
	lr =	simm.s32 $0x1  }
0x2: {  	[smem:$0x3F9F] =	sst lr;
	_ =	strace $0xD0000000  }
0x3: {  	_ = 	snop  }
0x4: {  	_ = 	snop  }
0x5: {  	_ = 	snop  }
0x6: {  	_ = 	snop  }
0x7: {  	_ = 	snop  }
__scs_overlays_trampoline_lowered:
0x8: {  	[smem:$0x3FAE] =	sst s0  }
0x9: {  	[smem:$0x3FAF] =	sst s1  }
0xa: {  	[smem:$0x3FB0] =	sst s2  }
0xb: {  	[smem:$0x3FB1] =	sst s3  }
0xc: {  	[smem:$0x3FB2] =	sst s4  }
0xd: {  	[smem:$0x3FB3] =	sst s5  }
0xe: {  	[smem:$0x3FB4] =	sst s6  }
0xf: {  	[smem:$0x3FB5] =	sst s7  }
0x10: {  	[smem:$0x3FB6] =	sst s8  }
0x11: {  	[smem:$0x3FB7] =	sst s9;
	s0 =	simm.s32 @!p0 $0x0  }
0x12: {  	s1 =	sld [smem:$0x3F9D];
	s0 =	simm.s32 @p0 $0x1  }
0x13: {  	[smem:$0x3FB8] =	sst s0;
	s0 =	simm.s32 @!p1 $0x0  }
0x14: {  	s2 =	sld [smem:$0x3F9C];
	s0 =	simm.s32 @p1 $0x1  }
0x15: {  	[smem:$0x3FB9] =	sst s0;
	s0 =	simm.s32 @!p2 $0x0  }
0x16: {  	s3 =	sld [smem:$0x3FDB];
	s0 =	simm.s32 @p2 $0x1  }
0x17: {  	s4 =	simm.s32 $0x1BF5;
	[smem:$0x3FBB] =	sst s0  }
0x18: {  	s0 =	sld [smem:$0x3F9E];
	_ =	swait.ge [sflag:s4], $0x0  }
0x19: {  	s7 =	sld [smem:$0x3F9F]  }
0x1a: {  	s8 =	sadd.s32 $0xFFFFE003, lr  }
0x1b: {  	s9 =	sadd.s32 $0xFFFFFEF7, lr;
	s5 =	simm.s32 $0xFFFFFFFF;
	p2 =	slt.u32 s8, $0xFFFFF086  }
0x1c: {  	p1 =	slt.u32 s9, $0xF7A;
	s5 =	simm.s32 @!p2 $0x0  }
0x1d: {  	s5 =	simm.s32 @p1 $0x1;
	p0 =	seq.s32 s7, s2  }
0x1e: {  	s7 =	smul.u32 @!p0 $0xF7A, s2;
	p2 =	seq.s32 @!p0 s5, $0x0  }
0x1f: {  	s9 =	smul.u32 $0xF7A, s1;
	s8 =	simm.s32 @!p0 $0x1BF5;
	p2 =	por !p2, p0  }
0x20: {  	[sflag:s8] =	ssyncset.s32 @!p0 $0xFFFFF086;
	s6 =	sadd.s32 @!p0 s3, s7;
	s7 =	simm.s32 @!p0 $0x108  }
0x21: {  	s3 =	sadd.s32 s3, s9;
	s6 =	sadd.s32 @!p0 $0x88, s6;
	s7 =	simm.s32 @p2 $0x1082  }
0x22: {  	[simem:s7], [sflag:s8] =	dma.local @!p0 [hbm:s6], $0xF7A  }
0x23: {  	s9 =	sor.u32 $0xD0000000, s2;
	s6 =	simm.s32 $0x108;
	_ =	swait.ge @!p0 [sflag:s8], $0x0  }
0x24: {  	s3 =	sadd.s32 $0x88, s3;
	s6 =	simm.s32 @!p1 $0x1082;
	[sflag:s4] =	ssyncset.s32 $0xFFFFF086  }
0x25: {  	[simem:s6], [sflag:s4] =	dma.local [hbm:s3], $0xF7A  }
0x26: {  	[smem:$0x3F9F] =	sst s1;
	(tag) =	ssettag s2;
	_ =	strace s9  }
0x27: {  	s1 =	sld [smem:$0x3FAF]  }
0x28: {  	s2 =	sld [smem:$0x3FB0]  }
0x29: {  	s4 =	sld [smem:$0x3FB2]  }
0x2a: {  	p0 =	seq.s32 s5, $0x0;
	s5 =	sld [smem:$0x3FB3]  }
0x2b: {  	s6 =	sld [smem:$0x3FB4]  }
0x2c: {  	s7 =	sld [smem:$0x3FB5]  }
0x2d: {  	s3 =	simm.s32 $0x108;
	s8 =	sld [smem:$0x3FB6]  }
0x2e: {  	s3 =	simm.s32 @!p0 $0x1082;
	s9 =	sld [smem:$0x3FB7]  }
0x2f: {  	lr =	sadd.s32 s0, s3;
	s0 =	sld [smem:$0x3FAE]  }
0x30: {  	s3 =	sld [smem:$0x3FB1]  }
0x31: {  	[smem:$0x3FBA] =	sst s10  }
0x32: {  	s10 =	sld [smem:$0x3FB8];
	_ =	sdelay $0x3  }
0x33: {  	p0 =	seq.s32 s10, $0x1;
	s10 =	sld [smem:$0x3FBA];
	_ =	sdelay $0x3  }
0x34: {  	[smem:$0x3FBA] =	sst s10  }
0x35: {  	s10 =	sld [smem:$0x3FB9];
	_ =	sdelay $0x3  }
0x36: {  	p1 =	seq.s32 s10, $0x1;
	s10 =	sld [smem:$0x3FBA];
	_ =	sdelay $0x3  }
0x37: {  	[smem:$0x3FBA] =	sst s10  }
0x38: {  	s10 =	sld [smem:$0x3FBB]  }
0x39: {  	_ = 	snop;
	(pc) =	sbr.ind lr, $3  }
0x3a: {  	_ = 	snop  }
0x3b: {  	_ = 	snop  }
0x3c: {  	p2 =	seq.s32 s10, $0x1;
	s10 =	sld [smem:$0x3FBA]  }
0x3d: {  	_ =	shalt  }
0x3e: {  	_ =	shalt  }
0x3f: {  	_ =	shalt  }
0x40: {  	_ =	shalt  }
0x41: {  	_ =	shalt  }
0x42: {  	_ =	shalt  }
0x43: {  	_ =	shalt  }
0x44: {  	_ =	shalt  }
0x45: {  	_ =	shalt  }
0x46: {  	_ =	shalt  }
0x47: {  	_ =	shalt  }
0x48: {  	_ =	shalt  }
0x49: {  	_ =	shalt  }
0x4a: {  	_ =	shalt  }
0x4b: {  	_ =	shalt  }
0x4c: {  	_ =	shalt  }
0x4d: {  	_ =	shalt  }
0x4e: {  	_ =	shalt  }
0x4f: {  	_ =	shalt  }
0x50: {  	_ =	shalt  }
0x51: {  	_ =	shalt  }
0x52: {  	_ =	shalt  }
0x53: {  	_ =	shalt  }
0x54: {  	_ =	shalt  }
0x55: {  	_ =	shalt  }
0x56: {  	_ =	shalt  }
0x57: {  	_ =	shalt  }
0x58: {  	_ =	shalt  }
0x59: {  	_ =	shalt  }
0x5a: {  	_ =	shalt  }
0x5b: {  	_ =	shalt  }
0x5c: {  	_ =	shalt  }
0x5d: {  	_ =	shalt  }
0x5e: {  	_ =	shalt  }
0x5f: {  	_ =	shalt  }
0x60: {  	_ =	shalt  }
0x61: {  	_ =	shalt  }
0x62: {  	_ =	shalt  }
0x63: {  	_ =	shalt  }
0x64: {  	_ =	shalt  }
0x65: {  	_ =	shalt  }
0x66: {  	_ =	shalt  }
0x67: {  	_ =	shalt  }
0x68: {  	_ =	shalt  }
0x69: {  	_ =	shalt  }
0x6a: {  	_ =	shalt  }
0x6b: {  	_ =	shalt  }
0x6c: {  	_ =	shalt  }
0x6d: {  	_ =	shalt  }
0x6e: {  	_ =	shalt  }
0x6f: {  	_ =	shalt  }
0x70: {  	_ =	shalt  }
0x71: {  	_ =	shalt  }
0x72: {  	_ =	shalt  }
0x73: {  	_ =	shalt  }
0x74: {  	_ =	shalt  }
0x75: {  	_ =	shalt  }
0x76: {  	_ =	shalt  }
0x77: {  	_ =	shalt  }
0x78: {  	_ =	shalt  }
0x79: {  	_ =	shalt  }
0x7a: {  	_ =	shalt  }
0x7b: {  	_ =	shalt  }
0x7c: {  	_ =	shalt  }
0x7d: {  	_ =	shalt  }
0x7e: {  	_ =	shalt  }
0x7f: {  	_ =	shalt  }
0x80: {  	_ =	shalt  }
0x81: {  	_ =	shalt  }
0x82: {  	_ =	shalt  }
0x83: {  	_ =	shalt  }
0x84: {  	_ =	shalt  }
0x85: {  	_ =	shalt  }
0x86: {  	_ =	shalt  }
0x87: {  	_ =	shalt  }
.Lfunc_end0:
.L_simem_size_0:
called_computation_lowered:
.L_overlay_start_0:
0x88: {  	s2 =	sld [smem:$0x3FD9]  }
0x89: {  	s3 =	sld [smem:$0x3FFE];
	_ =	sdelay $0x1  }
0x8a: {  	s1 =	srdreg.scid  }
0x8b: {  	s0 =	sand.u32 $0x1, s1  }
0x8c: {  	s14 =	sshll.u32 s0, $0xA;
	s2 =	sadd.s32 s3, s2  }
0x8d: {  	s2 =	sadd.s32 s2, s14  }
0x8e: {  	[smem:$0x3FC6] =	sst s2  }
0x8f: {  	_ = 	snop  }
0x90: {  	s2 =	sld [smem:$0x3FD0];
	_ =	sdelay $0x2  }
0x91: {  	s15 =	simm.s32 $0xA;
	s4 =	simm.s32 $0x10  }
0x92: {  	[smem:s4], [sflag:s15] =	dma.local [hbm:s2], $0x1  }
0x93: {  	_ =	swait.eq [sflag:s15], $0x1  }
0x94: {  	[sflag:s15] =	ssyncset.done $0x0  }
0x95: {  	[sflag:s15] =	ssyncadd.s32 $0xFFFFFFFF  }
0x96: {  	s16 =	sld [smem:$0x10];
	(tm) =	ssettm $0x1  }
0x97: {  	s17 =	sld [smem:$0x3FFB];
	_ =	sdelay $0x3  }
0x98: {  	_ =	strace s17  }
0x99: {  	s3 =	sld [smem:$0x3FFC];
	_ =	sdelay $0x3  }
0x9a: {  	_ =	strace s3  }
0x9b: {  	s3 =	sld [smem:$0x3FFD];
	_ =	sdelay $0x3  }
0x9c: {  	_ =	strace s3  }
0x9d: {  	_ =	strace $0x8FFFFFFF  }
0x9e: {  	s18 =	sld [smem:$0x3FDB];
	_ =	sdelay $0x1  }
0x9f: {  	s19 =	simm.s32 $_scs_section_size  }
0xa0: {  	s5 =	simm.s32 $_size__tile_overlayer_lowered;
	s6 =	simm.s32 $_tile_overlayer_lowered  }
0xa1: {  	s22 =	simm.s32 $0x1BFF;
	s21 =	sshll.u32 s6, $0x1;
	s3 =	sadd.s32 s19, s18  }
0xa2: {  	s7 =	simm.s32 $0x0;
	s20 =	sshll.u32 s5, $0x1;
	s5 =	sadd.s32 s21, s3  }
0xa3: {  	[timem:s7], [sflag:s22] =	dma.local [hbm:s5], s20  }
0xa4: {  	_ =	swait.ge [sflag:s22], s20  }
0xa5: {  	s4 =	ssub.s32 $0x0, s20;
	[sflag:s22] =	ssyncset.done $0x0  }
0xa6: {  	[sflag:s22] =	ssyncadd.s32 s4;
	_ =	sdelay $0x1  }
0xa7: {  	s23 =	simm.s32 $0x1B8B  }
0xa8: {  	_ =	swait.ge [sflag:s23], $0x1  }
0xa9: {  	[sflag:s23] =	ssyncset.done $0x0  }
0xaa: {  	s25 =	simm.s32 $0x1B8E;
	s24 =	sld [smem:$0x3FFE];
	[sflag:s23] =	ssyncadd.s32 $0xFFFFFFFF  }
0xab: {  	s26 =	simm.s32 $execute0_lowered;
	[smem:$0x3FD2] =	sst s25  }
0xac: {  	s5 =	sshll.u32 s26, $0x1;
	_ =	strace $0x80000046;
	[dreg:$0x1] =	wrdreg $0xFFFFFFFF  }
0xad: {  	s28 =	simm.s32 $_size_execute0_lowered;
	s3 =	sadd.s32 s3, s5;
	[dreg:$0x0] =	wrdreg $0x0  }
0xae: {  	s5 =	sshll.u32 s28, $0x1;
	[dreg:$0x2] =	wrdreg s3  }
0xaf: {  	[dreg:$0x3] =	wrdreg s5  }
0xb0: {  	[dreg:$0x4] =	wrdreg $0xC0  }
0xb1: {  	_ =	task [dreg:s7], $0x5FFFF  }
0xb2: {  	[dreg:$0x1] =	wrdreg $0xFFFFFFFF  }
0xb3: {  	[dreg:$0x0] =	wrdreg $0x60  }
0xb4: {  	[dreg:$0x2] =	wrdreg s24  }
0xb5: {  	[dreg:$0x3] =	wrdreg s16  }
0xb6: {  	[dreg:$0x4] =	wrdreg $0x9  }
0xb7: {  	_ =	task.clear_ibuf [dreg:s7], $0x5FFFF;
	_ =	strace $0x90000046  }
0xb8: {  	s29 =	simm.s32 $0x9;
	_ =	strace $0x80000048  }
0xb9: {  	_ =	swait.ge [sflag:s29], $0x1  }
0xba: {  	[sflag:s29] =	ssyncadd.s32 $0xFFFFFFFF  }
0xbb: {  	_ =	strace $0x90000048  }
0xbc: {  	_ =	sfence  }
0xbd: {  	s30 =	sld [smem:$0x0];
	_ =	sdelay $0x2  }
0xbe: {  	s31 =	sshll.u32 s1, $0xD;
	s1 =	sshrl.u32 s1, $0x2  }
0xbf: {  	s3 =	sand.u32 $0x4000, s31;
	s1 =	sadd.s32 s1, s30  }
0xc0: {  	s0 =	sor.u32 s3, s0;
	s1 =	sshll.u32 s1, $0x11  }
0xc1: {  	s0 =	sor.u32 s1, s0  }
0xc2: {  	s0 =	sadd.s32 $0x8F2B, s0  }
0xc3: {  	[sflag:s0] =	ssyncadd.remote.s32 $0x1  }
0xc4: {  	_ =	sfence.sel $0xFFFF  }
0xc5: {  	[dreg:$0x0] =	wrdreg $0xFFFFFFFF;
	(pc) =	sbr.abs _section_cstart, $3  }
0xc6: {  	[dreg:$0x1] =	wrdreg $0xFFFFFFFF  }
0xc7: {  	_ =	task.clear_ibuf [dreg:s7], $0x2FFFF;
	_ =	strace $0x9FFFFFFF  }
0xc8: {  	(tm) =	ssettm $0x7FFFFFFF  }
0xc9: {  	_ =	shalt  }
tec
execute0_lowered:
.L_overlay_start_1:
0x0: {  	(tag) =	ssettag $0x1  }
0x1: {  	s1 =	srdreg.scid;
	s2 =	rddreg [dreg:$0x0]  }
0x2: {  	s0 =	stileid.u32;
	s4 =	rddreg [dreg:$0x1];
	s6 =	sand.u32 $0x1, s1  }
0x3: {  	s3 =	simm.s32 $0x0;
	s5 =	sshll.u32 s0, $0x9;
	s7 =	sshll.u32 s6, $0x8  }
0x4: {  	[smem:$0x7FF] =	sst s3;
	s8 =	sor.u32 s7, s5  }
0x5: {  	s1 =	rddreg [dreg:$0x2];
	_ =	strace $0x80000047;
	s5 =	sshrl.u32 s8, $0x3  }
0x6: {  	s9 =	ssub.s32 $0x2, s6;
	s5 =	sadd.s32 s4, s5;
	s4 =	simm.s32 $0x2  }
0x7: {  	[tilespmem:s3], [sflag:$0x2] =	stream.linear.gather [hbm4b:s5+s3], $0x100, $0x38;
	[tilespmem:$0x8100] =	vst v63  }
0x8: {  	s10 =	sshrl.u32 s9, $0x1;
	_ =	swait.ge [sflag:s4], $0x100  }
0x9: {  	s6 =	simm.s32 $0x100;
	s9 =	ssub.s32 s9, s10;
	[sflag:s4] =	ssyncset.done $0x0  }
0xa: {  	s7 =	simm.s32 $0x1;
	s9 =	smax.u32 s9, $0x1;
	[sflag:s4] =	ssyncadd.s32 $0xFFFFFF00  }
0xb: {  	[tilespmem:s6], [sflag:$0x1] =	stream.indirect.gather [hbm4b:s2+s6], $0x80, s3, s6, $0xb8;
	[tilespmem:$0x8100] =	vst v63  }
0xc: {  	s8 =	sshll.u32 s8, $0x4;
	p0 =	sne.s32 s9, $0x1;
	_ =	swait.ge [sflag:s7], $0x8000  }
.Ltmp0:
0xd: {  	s8 =	sadd.s32 s8, s2;
	[sflag:s7] =	ssyncset.done $0x0;
	(pc) =	sbr.rel @!p0 .LBB2_2-.Ltmp0, $4  }
0xe: {  	s8 =	sadd.s32 $0x20000, s8;
	[sflag:s7] =	ssyncadd.s32 $0xFFFF8000  }
0xf: {  	[hbm4b:s8+s3] =	stream.linear.scatter [tilespmem:s6], [sflag:$0x2], $0x8000, $0x38;
	[tilespmem:$0x8100] =	vst v63  }
0x10: {  	_ =	swait.ge [sflag:s4], $0x8000  }
0x11: {  	s9 =	sadd.s32 $0xFFFFFFFF, s9;
	[sflag:s4] =	ssyncset.done $0x0  }
.LBB2_1:
0x12: {  	p0 =	sne.s32 s9, $0x1;
	s9 =	sadd.s32 $0xFFFFFFFF, s9;
	[sflag:s4] =	ssyncadd.s32 $0xFFFF8000  }
0x13: {  	[tilespmem:s3], [sflag:$0x2] =	stream.linear.gather [hbm4b:s5+s3], $0x100, $0x38;
	[tilespmem:$0x8100] =	vst v63  }
0x14: {  	_ =	swait.ge [sflag:s4], $0x100  }
0x15: {  	[sflag:s4] =	ssyncset.done $0x0  }
0x16: {  	[sflag:s4] =	ssyncadd.s32 $0xFFFFFF00  }
0x17: {  	[tilespmem:s6], [sflag:$0x1] =	stream.indirect.gather [hbm4b:s2+s6], $0x80, s3, s6, $0xb8;
	[tilespmem:$0x8100] =	vst v63  }
0x18: {  	_ =	swait.ge [sflag:s7], $0x8000  }
.Ltmp1:
0x19: {  	[sflag:s7] =	ssyncset.done $0x0;
	(pc) =	sbr.rel @p0 .LBB2_1-.Ltmp1, $4  }
0x1a: {  	[sflag:s7] =	ssyncadd.s32 $0xFFFF8000  }
0x1b: {  	[hbm4b:s8+s3] =	stream.linear.scatter [tilespmem:s6], [sflag:$0x2], $0x8000, $0x38;
	[tilespmem:$0x8100] =	vst v63  }
0x1c: {  	_ =	swait.ge [sflag:s4], $0x8000  }
0x1d: {  	[sflag:s4] =	ssyncset.done $0x0  }
.LBB2_2:
0x1e: {  	[sflag:s4] =	ssyncadd.s32 $0xFFFF8000  }
0x1f: {  	_ =	sfence.sel $0x180000  }
0x20: {  	[bflag:$0x0] =	sbarrier.arrive $0xFFFF  }
0x21: {  	p0 =	sne.s32 s0, $0x0;
	_ =	strace $0x90000047  }
0x22: {  	s0 =	sadd.s32 @!p0 $0x100000, s1;
	[bflag:$0x2] =	sbarrier.arrive $0xFFFF  }
0x23: {  	[sflag:s0] =	ssyncadd.tile.s32 @!p0 $0x1;
	_ =	shalt  }
.Lfunc_end2:
_tile_overlayer_lowered:
.L_overlay_start_2:
0x24: {  	(tag) =	ssettag $0x2  }
0x25: {  	s0 =	rddreg [dreg:$0x0];
	s2 =	stileid.u32  }
0x26: {  	s1 =	rddreg [dreg:$0x1];
	p0 =	sne.s32 s2, $0x0  }
0x27: {  	s3 =	rddreg [dreg:$0x2];
	[bflag:$0x3] =	sbarrier.arrive $0xFFFF;
	s2 =	simm.s32 @!p0 $0x1C02  }
0x28: {  	[timem:s3], [sflag:s2] =	dma.local @!p0 [hbm:s0], s1  }
0x29: {  	s0 =	simm.s32 @!p0 $0x2  }
0x2a: {  	_ =	swait.ge @!p0 [sflag:s0], s1  }
0x2b: {  	s1 =	ssub.s32 @!p0 $0x0, s1;
	[sflag:s0] =	ssyncset.done @!p0 $0x0  }
0x2c: {  	[sflag:s0] =	ssyncadd.s32 @!p0 s1  }
0x2d: {  	[bflag:$0x3] =	sbarrier.arrive $0xFFFF  }
0x2e: {  	_ =	shalt  }

</sc_bundles>
